<compile_context>
chip_gen: v7x
topology: tpu7x:2x2x1
jax: 0.10.2.dev20260603
libtpu: 0.0.44.dev20260713+nightly
codegen_flags: <defaults>
</compile_context>

<pallas_src>
import functools

import jax
import jax.numpy as jnp
from jax import lax
from jax.experimental import pallas as pl
from jax.experimental.pallas import tpu as pltpu
from jax.experimental.pallas import tpu_sc as plsc

E = 8
D_IN = 1024
D_H = 2048
N = 8192

T = 256
NT = N // T + E
P = NT * T

NC = 2
NS = 16
NW = NC * NS

SCH = 32
SNCH = (N // NW) // SCH


def _row_scatter_body(aev_hbm, idx_hbm, out_hbm, idx_v, rows_a, rows_b,
                     gsem_a, gsem_b, osem_a, osem_b):
    wid = lax.axis_index("s") * NC + lax.axis_index("c")
    bpw = N // NW
    base = wid * bpw
    pltpu.sync_copy(idx_hbm.at[wid], idx_v)
    bufs, gsems, osems = (rows_a, rows_b), (gsem_a, gsem_b), (osem_a, osem_b)
    g = [None] * SNCH
    o = [None] * SNCH
    g[0] = pltpu.async_copy(
        aev_hbm.at[pl.ds(base, SCH)], bufs[0], gsems[0])
    for j in range(SNCH):
        b = j % 2
        g[j].wait()
        if j + 1 < SNCH:
            if j >= 1:
                o[j - 1].wait()
            g[j + 1] = pltpu.async_copy(
                aev_hbm.at[pl.ds(base + (j + 1) * SCH, SCH)],
                bufs[1 - b], gsems[1 - b])
        o[j] = pltpu.async_copy(
            bufs[b], out_hbm.at[idx_v.at[j]], osems[b])
    o[SNCH - 2].wait()
    o[SNCH - 1].wait()


def _sc_scatter_rows(aev, pos3):
    mesh = plsc.VectorSubcoreMesh(core_axis_name="c", subcore_axis_name="s")
    k = pl.kernel(
        _row_scatter_body,
        out_type=jax.ShapeDtypeStruct((P, D_IN), jnp.float32),
        mesh=mesh,
        scratch_types=[
            pltpu.VMEM((SNCH, SCH), jnp.int32),
            pltpu.VMEM((SCH, D_IN), jnp.float32),
            pltpu.VMEM((SCH, D_IN), jnp.float32),
            pltpu.SemaphoreType.DMA,
            pltpu.SemaphoreType.DMA,
            pltpu.SemaphoreType.DMA,
            pltpu.SemaphoreType.DMA,
        ],
    )
    return k(aev, pos3)


def _scalar_gather_body(vals_hbm, idx_hbm, out_hbm, vals_v, idx_v, out_v):
    wid = lax.axis_index("s") * NC + lax.axis_index("c")
    bpw = N // NW
    base = wid * bpw
    pltpu.sync_copy(vals_hbm, vals_v)
    pltpu.sync_copy(idx_hbm.at[pl.ds(base, bpw)], idx_v)

    def body(j, carry):
        idx16 = idx_v[pl.ds(j * 16, 16)]
        out_v[pl.ds(j * 16, 16)] = plsc.load_gather(vals_v, [idx16])
        return carry

    lax.fori_loop(0, bpw // 16, body, 0)
    pltpu.sync_copy(out_v, out_hbm.at[pl.ds(base, bpw)])


def _sc_gather_scalars(vals, idx):
    mesh = plsc.VectorSubcoreMesh(core_axis_name="c", subcore_axis_name="s")
    k = pl.kernel(
        _scalar_gather_body,
        out_type=jax.ShapeDtypeStruct((N,), jnp.float32),
        mesh=mesh,
        scratch_types=[
            pltpu.VMEM((P,), jnp.float32),
            pltpu.VMEM((N // NW,), jnp.int32),
            pltpu.VMEM((N // NW,), jnp.float32),
        ],
        compiler_params=pltpu.CompilerParams(needs_layout_passes=False),
    )
    return k(vals, idx)


def _celu(x):
    return jnp.where(x > 0, x, jnp.exp(x) - 1.0)


def _mlp_body(ctrl_ref, x_ref, w0_hbm, w1_hbm, b0_ref, b1_ref, w2_ref, sv_ref,
              out_ref, w0_buf, w1_buf, sems):
    i = pl.program_id(0)
    e = ctrl_ref[0, i]
    first = ctrl_ref[1, i]
    ldexp = ctrl_ref[2, i]
    slot = ctrl_ref[3, i]
    nact = ctrl_ref[0, NT]

    def w_copy(expert, s):
        return (
            pltpu.make_async_copy(w0_hbm.at[expert], w0_buf.at[s],
                                  sems.at[s, 0]),
            pltpu.make_async_copy(w1_hbm.at[expert, pl.ds(0, D_H // 2)],
                                  w1_buf.at[s, pl.ds(0, D_H // 2)],
                                  sems.at[s, 1]),
            pltpu.make_async_copy(w1_hbm.at[expert, pl.ds(D_H // 2, D_H // 2)],
                                  w1_buf.at[s, pl.ds(D_H // 2, D_H // 2)],
                                  sems.at[s, 2]),
        )

    @pl.when(i == 0)
    def _():
        for c in w_copy(e, 0):
            c.start()

    @pl.when((first == 1) & (ldexp >= 0))
    def _():
        @pl.when(slot == 0)
        def _():
            for c in w_copy(ldexp, 1):
                c.start()

        @pl.when(slot == 1)
        def _():
            for c in w_copy(ldexp, 0):
                c.start()

    @pl.when(first == 1)
    def _():
        @pl.when(slot == 0)
        def _():
            for c in w_copy(e, 0):
                c.wait()

        @pl.when(slot == 1)
        def _():
            for c in w_copy(e, 1):
                c.wait()

    def compute(s):
        h = jnp.dot(x_ref[...], w0_buf[s], preferred_element_type=jnp.float32,
                    precision=lax.Precision.DEFAULT)
        h = _celu(h + b0_ref[0])
        h = jnp.dot(h, w1_buf[s], preferred_element_type=jnp.float32,
                    precision=lax.Precision.DEFAULT)
        h = _celu(h + b1_ref[0])
        y = jnp.sum(h * w2_ref[0], axis=1) + sv_ref[e]
        out_ref[0, 0, :] = y

    @pl.when(i < nact)
    def _():
        @pl.when(slot == 0)
        def _():
            compute(0)

        @pl.when(slot == 1)
        def _():
            compute(1)


def _tc_mlp(ctrl, x_sorted, W0, b0r, W1, b1r, w2r, svec):
    grid_spec = pltpu.PrefetchScalarGridSpec(
        num_scalar_prefetch=1,
        grid=(NT,),
        in_specs=[
            pl.BlockSpec((T, D_IN), lambda i, ct: (i, 0)),
            pl.BlockSpec(memory_space=pl.ANY),
            pl.BlockSpec(memory_space=pl.ANY),
            pl.BlockSpec((1, 1, D_H), lambda i, ct: (ct[0, i], 0, 0)),
            pl.BlockSpec((1, 1, D_H), lambda i, ct: (ct[0, i], 0, 0)),
            pl.BlockSpec((1, 1, D_H), lambda i, ct: (ct[0, i], 0, 0)),
            pl.BlockSpec(memory_space=pltpu.MemorySpace.SMEM),
        ],
        out_specs=pl.BlockSpec((1, 1, T), lambda i, ct: (i, 0, 0)),
        scratch_shapes=[
            pltpu.VMEM((2, D_IN, D_H), jnp.float32),
            pltpu.VMEM((2, D_H, D_H), jnp.float32),
            pltpu.SemaphoreType.DMA((2, 3)),
        ],
    )
    return pl.pallas_call(
        _mlp_body,
        grid_spec=grid_spec,
        out_shape=jax.ShapeDtypeStruct((NT, 1, T), jnp.float32),
        compiler_params=pltpu.CompilerParams(
            dimension_semantics=("arbitrary",),
            vmem_limit_bytes=100 * 1024 * 1024,
        ),
    )(ctrl, x_sorted, W0, W1, b0r, b1r, w2r, svec)


def _routing_plan(index):
    onehot = index[:, None] == jnp.arange(E, dtype=jnp.int32)[None, :]
    counts = jnp.sum(onehot.astype(jnp.int32), axis=0)
    tiles_e = (counts + T - 1) // T
    pad_e = tiles_e * T
    off = jnp.concatenate(
        [jnp.zeros((1,), jnp.int32), jnp.cumsum(pad_e)[:-1].astype(jnp.int32)])
    ranks = jnp.cumsum(onehot.astype(jnp.int32), axis=0) - 1
    r = jnp.sum(jnp.where(onehot, ranks, 0), axis=1)
    tok_off = jnp.sum(jnp.where(onehot, off[None, :], 0), axis=1)
    pos = tok_off + r
    tile_cum = jnp.cumsum(tiles_e)
    tmap = jnp.sum(
        (jnp.arange(NT, dtype=jnp.int32)[:, None] >= tile_cum[None, :])
        .astype(jnp.int32), axis=1)
    tmap = jnp.minimum(tmap, E - 1).astype(jnp.int32)
    n_active = tile_cum[-1].astype(jnp.int32)

    first = jnp.concatenate(
        [jnp.ones((1,), jnp.int32),
         (tmap[1:] != tmap[:-1]).astype(jnp.int32)])
    g = jnp.cumsum(first) - 1
    slot = (g % 2).astype(jnp.int32)
    gexp = jnp.full((NT + 1,), -1, jnp.int32).at[g].set(tmap)
    ldexp = jnp.where(first == 1, gexp[jnp.minimum(g + 1, NT)], -1)

    ctrl = jnp.stack([
        jnp.concatenate([tmap, n_active[None]]),
        jnp.concatenate([first, jnp.zeros((1,), jnp.int32)]),
        jnp.concatenate([ldexp, jnp.full((1,), -1, jnp.int32)]),
        jnp.concatenate([slot, jnp.zeros((1,), jnp.int32)]),
    ])
    return ctrl, pos


def kernel(index, aev, W0, b0, W1, b1, W2, b2):
    index = index.astype(jnp.int32)
    ctrl, pos = _routing_plan(index)
    svec = b2[:, 0] + 0.1 * jnp.arange(E, dtype=jnp.float32)
    b0r = b0.reshape(E, 1, D_H)
    b1r = b1.reshape(E, 1, D_H)
    w2r = W2[:, :, 0].reshape(E, 1, D_H)
    x_sorted = _sc_scatter_rows(aev, pos.reshape(NW, SNCH, SCH))
    y = _tc_mlp(ctrl, x_sorted, W0, b0r, W1, b1r, w2r, svec)
    return _sc_gather_scalars(y.reshape(P), pos)

# --- scband reference (transcript-rebuilt; emitter-appended) ---
"""Pipeline reference for scband-index-network-8134668059090 (READ-ONLY COPY).

The authoritative reference and input builder live on the scoring server;
editing this copy changes nothing except your own understanding.
"""

import jax, jax.numpy as jnp
import numpy as np

E = 8
D_IN = 1024
D_H = 2048
N = 8192


def setup_inputs(seed: int = 0) -> dict:
    key = jax.random.key(seed)
    ks = jax.random.split(key, 8)
    index = jax.random.randint(ks[0], (N,), 0, E)
    aev = jax.random.normal(ks[1], (N, D_IN), dtype=jnp.float32)
    # Stacked per-expert ShiftedNetwork params: Linear(1024->2048), Linear(2048->2048), Linear(2048->1)
    W0 = jax.random.normal(ks[2], (E, D_IN, D_H), dtype=jnp.float32) * 0.02
    b0 = jnp.zeros((E, D_H), dtype=jnp.float32)
    W1 = jax.random.normal(ks[3], (E, D_H, D_H), dtype=jnp.float32) * 0.02
    b1 = jnp.zeros((E, D_H), dtype=jnp.float32)
    W2 = jax.random.normal(ks[4], (E, D_H, 1), dtype=jnp.float32) * 0.02
    b2 = jnp.zeros((E, 1), dtype=jnp.float32)
    return {"index": index, "aev": aev, "W0": W0, "b0": b0, "W1": W1, "b1": b1, "W2": W2, "b2": b2}


def reference(index, aev, W0, b0, W1, b1, W2, b2):
    # IndexNetwork.compute(index, aev) with sum_up=False.
    # Buffers registered at init: shift_i = 0.1*i, alpha_i = 1.0
    shifts = jnp.arange(E, dtype=jnp.float32) * 0.1
    alphas = jnp.ones((E,), dtype=jnp.float32)
    n = index.shape[0]
    output = jnp.zeros((n,), dtype=jnp.float32)
    for i in range(E):
        mask = index == i                          # mask = index == i
        h = aev                                    # aev[mask, :] (gather)
        h = jax.nn.celu(h @ W0[i] + b0[i])         # Linear + CELU
        h = jax.nn.celu(h @ W1[i] + b1[i])         # Linear + CELU
        y = h @ W2[i] + b2[i]                      # final Linear (no activation)
        y = y[:, 0] * alphas[i] + shifts[i]        # y * alpha + shift (ShiftedNetwork)
        output = jnp.where(mask, y, output)        # masked_scatter_
    return output

if __name__ == "__main__":
    import jax
    _d = setup_inputs()
    print(jax.jit(kernel)(*tuple(_d.values())))

</pallas_src>

<mosaic_0001>
#map = affine_map<(d0, d1) -> (0)>
module attributes {stable_mosaic.version = 14 : i64} {
  func.func @_scalar_gather_body(%arg0: i32, %arg1: i32, %arg2: memref<10240xf32, #tpu.memory_space<hbm>>, %arg3: memref<8192xi32, #tpu.memory_space<hbm>>, %arg4: memref<8192xf32, #tpu.memory_space<hbm>>, %arg5: memref<10240xf32, #tpu.memory_space<vmem>>, %arg6: memref<256xi32, #tpu.memory_space<vmem>>, %arg7: memref<256xf32, #tpu.memory_space<vmem>>) attributes {dimension_semantics = [#tpu.dimension_semantics<core_parallel>, #tpu.dimension_semantics<subcore_parallel>], iteration_bounds = array<i64: 2, 16>, scalar_prefetch = 0 : i64, scratch_operands = 3 : i64, tpu.core_type = #tpu.core_type<sc_vector_subcore>, window_params = [{transform_indices = #map}, {transform_indices = #map}, {transform_indices = #map}]} {
    %mul3A = arith.constant 2 : i32
    %mul3A_0 = arith.muli %arg1, %mul3A : i32
    %add3A = arith.addi %mul3A_0, %arg0 : i32
    %mul3A_1 = arith.constant 256 : i32
    %mul3A_2 = arith.muli %add3A, %mul3A_1 : i32
    "tpu.region"() ({
      %run_scoped3A = tpu.sem_alloc : memref<!tpu.dma_semaphore, #tpu.memory_space<semaphore_mem>>
      tpu.enqueue_dma source(%arg2 : memref<10240xf32, #tpu.memory_space<hbm>>) target(%arg5 : memref<10240xf32, #tpu.memory_space<vmem>>) target_semaphore(%run_scoped3A : memref<!tpu.dma_semaphore, #tpu.memory_space<semaphore_mem>>)
      tpu.wait_dma2 semaphore(%run_scoped3A : memref<!tpu.dma_semaphore, #tpu.memory_space<semaphore_mem>>) src(%arg2 : memref<10240xf32, #tpu.memory_space<hbm>>) dst(%arg5 : memref<10240xf32, #tpu.memory_space<vmem>>)
      tpu.yield
    }) : () -> ()
    "tpu.region"() ({
      %run_scoped3A = tpu.sem_alloc : memref<!tpu.dma_semaphore, #tpu.memory_space<semaphore_mem>>
      %dma_start3A = tpu.memref_slice %arg3[%mul3A_2] : memref<8192xi32, #tpu.memory_space<hbm>> -> memref<256xi32, #tpu.memory_space<hbm>>
      %dma_start3A_8 = tpu.memref_slice %arg3[%mul3A_2] : memref<8192xi32, #tpu.memory_space<hbm>> -> memref<256xi32, #tpu.memory_space<hbm>>
      tpu.enqueue_dma source(%dma_start3A_8 : memref<256xi32, #tpu.memory_space<hbm>>) target(%arg6 : memref<256xi32, #tpu.memory_space<vmem>>) target_semaphore(%run_scoped3A : memref<!tpu.dma_semaphore, #tpu.memory_space<semaphore_mem>>)
      %dma_wait3A = tpu.memref_slice %arg3[%mul3A_2] : memref<8192xi32, #tpu.memory_space<hbm>> -> memref<256xi32, #tpu.memory_space<hbm>>
      %dma_wait3A_9 = tpu.memref_slice %arg3[%mul3A_2] : memref<8192xi32, #tpu.memory_space<hbm>> -> memref<256xi32, #tpu.memory_space<hbm>>
      tpu.wait_dma2 semaphore(%run_scoped3A : memref<!tpu.dma_semaphore, #tpu.memory_space<semaphore_mem>>) src(%dma_wait3A_9 : memref<256xi32, #tpu.memory_space<hbm>>) dst(%arg6 : memref<256xi32, #tpu.memory_space<vmem>>)
      tpu.yield
    }) : () -> ()
    %scan3A = arith.constant 0 : i32
    %scan3A_3 = arith.constant 0 : i32
    %scan3A_4 = arith.constant 16 : i32
    %scan3A_5 = arith.addi %scan3A_3, %scan3A_4 : i32
    %scan3A_6 = arith.constant 1 : i32
    scf.for %scan3A_8 = %scan3A_3 to %scan3A_5 step %scan3A_6  : i32 {
      %mul3A_9 = arith.constant 16 : i32
      %mul3A_10 = arith.muli %scan3A_8, %mul3A_9 : i32
      %get3A = arith.index_cast %mul3A_10 : i32 to index
      %get3A_11 = tpu.vector_load %arg6[%get3A] {strides = array<i32>} : memref<256xi32, #tpu.memory_space<vmem>>, vector<16xi32>,
      %gather3A = tpu.vector_load_idx %arg5[%get3A_11] : memref<10240xf32, #tpu.memory_space<vmem>>[vector<16xi32>], vector<16xf32>,
      %mul3A_12 = arith.constant 16 : i32
      %mul3A_13 = arith.muli %scan3A_8, %mul3A_12 : i32
      %swap3A = arith.index_cast %mul3A_13 : i32 to index
      %swap3A_14 = tpu.vector_load %arg7[%swap3A] {strides = array<i32>} : memref<256xf32, #tpu.memory_space<vmem>>, vector<16xf32>,
      tpu.vector_store %arg7[%swap3A], %gather3A {strides = array<i32>} : memref<256xf32, #tpu.memory_space<vmem>>, vector<16xf32>,
    }
    %scan3A_7 = arith.constant 16 : i32
    "tpu.region"() ({
      %run_scoped3A = tpu.sem_alloc : memref<!tpu.dma_semaphore, #tpu.memory_space<semaphore_mem>>
      %dma_start3A = tpu.memref_slice %arg4[%mul3A_2] : memref<8192xf32, #tpu.memory_space<hbm>> -> memref<256xf32, #tpu.memory_space<hbm>>
      %dma_start3A_8 = tpu.memref_slice %arg4[%mul3A_2] : memref<8192xf32, #tpu.memory_space<hbm>> -> memref<256xf32, #tpu.memory_space<hbm>>
      tpu.enqueue_dma source(%arg7 : memref<256xf32, #tpu.memory_space<vmem>>) target(%dma_start3A_8 : memref<256xf32, #tpu.memory_space<hbm>>) target_semaphore(%run_scoped3A : memref<!tpu.dma_semaphore, #tpu.memory_space<semaphore_mem>>)
      %dma_wait3A = tpu.memref_slice %arg4[%mul3A_2] : memref<8192xf32, #tpu.memory_space<hbm>> -> memref<256xf32, #tpu.memory_space<hbm>>
      %dma_wait3A_9 = tpu.memref_slice %arg4[%mul3A_2] : memref<8192xf32, #tpu.memory_space<hbm>> -> memref<256xf32, #tpu.memory_space<hbm>>
      tpu.wait_dma2 semaphore(%run_scoped3A : memref<!tpu.dma_semaphore, #tpu.memory_space<semaphore_mem>>) src(%arg7 : memref<256xf32, #tpu.memory_space<vmem>>) dst(%dma_wait3A_9 : memref<256xf32, #tpu.memory_space<hbm>>)
      tpu.yield
    }) : () -> ()
    return
  }
}

#map = affine_map<(d0, d1) -> (0, 0)>
#map1 = affine_map<(d0, d1) -> (0, 0, 0)>
module attributes {stable_mosaic.version = 14 : i64} {
  func.func @_row_scatter_body(%arg0: i32, %arg1: i32, %arg2: memref<8192x1024xf32, #tpu.memory_space<hbm>>, %arg3: memref<32x8x32xi32, #tpu.memory_space<hbm>>, %arg4: memref<10240x1024xf32, #tpu.memory_space<hbm>>, %arg5: memref<8x32xi32, #tpu.memory_space<vmem>>, %arg6: memref<32x1024xf32, #tpu.memory_space<vmem>>, %arg7: memref<32x1024xf32, #tpu.memory_space<vmem>>, %arg8: memref<!tpu.dma_semaphore, #tpu.memory_space<semaphore_mem>>, %arg9: memref<!tpu.dma_semaphore, #tpu.memory_space<semaphore_mem>>, %arg10: memref<!tpu.dma_semaphore, #tpu.memory_space<semaphore_mem>>, %arg11: memref<!tpu.dma_semaphore, #tpu.memory_space<semaphore_mem>>) attributes {dimension_semantics = [#tpu.dimension_semantics<core_parallel>, #tpu.dimension_semantics<subcore_parallel>], iteration_bounds = array<i64: 2, 16>, scalar_prefetch = 0 : i64, scratch_operands = 7 : i64, tpu.core_type = #tpu.core_type<sc_vector_subcore>, window_params = [{transform_indices = #map}, {transform_indices = #map1}, {transform_indices = #map}]} {
    %mul3A = arith.constant 2 : i32
    %mul3A_0 = arith.muli %arg1, %mul3A : i32
    %add3A = arith.addi %mul3A_0, %arg0 : i32
    %mul3A_1 = arith.constant 256 : i32
    %mul3A_2 = arith.muli %add3A, %mul3A_1 : i32
    "tpu.region"() ({
      %run_scoped3A = tpu.sem_alloc : memref<!tpu.dma_semaphore, #tpu.memory_space<semaphore_mem>>
      %dma_start3A_191 = arith.constant 0 : i32
      %dma_start3A_192 = arith.constant 0 : i32
      %dma_start3A_193 = tpu.memref_slice %arg3[%add3A, %dma_start3A_191, %dma_start3A_192] : memref<32x8x32xi32, #tpu.memory_space<hbm>> -> memref<1x8x32xi32, #tpu.memory_space<hbm>>
      %dma_start3A_194 = tpu.memref_squeeze %dma_start3A_193 : memref<1x8x32xi32, #tpu.memory_space<hbm>> -> memref<8x32xi32, #tpu.memory_space<hbm>>
      %dma_start3A_195 = arith.constant 0 : i32
      %dma_start3A_196 = arith.constant 0 : i32
      %dma_start3A_197 = tpu.memref_slice %arg3[%add3A, %dma_start3A_195, %dma_start3A_196] : memref<32x8x32xi32, #tpu.memory_space<hbm>> -> memref<1x8x32xi32, #tpu.memory_space<hbm>>
      %dma_start3A_198 = tpu.memref_squeeze %dma_start3A_197 : memref<1x8x32xi32, #tpu.memory_space<hbm>> -> memref<8x32xi32, #tpu.memory_space<hbm>>
      tpu.enqueue_dma source(%dma_start3A_198 : memref<8x32xi32, #tpu.memory_space<hbm>>) target(%arg5 : memref<8x32xi32, #tpu.memory_space<vmem>>) target_semaphore(%run_scoped3A : memref<!tpu.dma_semaphore, #tpu.memory_space<semaphore_mem>>)
      %dma_wait3A_199 = arith.constant 0 : i32
      %dma_wait3A_200 = arith.constant 0 : i32
      %dma_wait3A_201 = tpu.memref_slice %arg3[%add3A, %dma_wait3A_199, %dma_wait3A_200] : memref<32x8x32xi32, #tpu.memory_space<hbm>> -> memref<1x8x32xi32, #tpu.memory_space<hbm>>
      %dma_wait3A_202 = tpu.memref_squeeze %dma_wait3A_201 : memref<1x8x32xi32, #tpu.memory_space<hbm>> -> memref<8x32xi32, #tpu.memory_space<hbm>>
      %dma_wait3A_203 = arith.constant 0 : i32
      %dma_wait3A_204 = arith.constant 0 : i32
      %dma_wait3A_205 = tpu.memref_slice %arg3[%add3A, %dma_wait3A_203, %dma_wait3A_204] : memref<32x8x32xi32, #tpu.memory_space<hbm>> -> memref<1x8x32xi32, #tpu.memory_space<hbm>>
      %dma_wait3A_206 = tpu.memref_squeeze %dma_wait3A_205 : memref<1x8x32xi32, #tpu.memory_space<hbm>> -> memref<8x32xi32, #tpu.memory_space<hbm>>
      tpu.wait_dma2 semaphore(%run_scoped3A : memref<!tpu.dma_semaphore, #tpu.memory_space<semaphore_mem>>) src(%dma_wait3A_206 : memref<8x32xi32, #tpu.memory_space<hbm>>) dst(%arg5 : memref<8x32xi32, #tpu.memory_space<vmem>>)
      tpu.yield
    }) : () -> ()
    %dma_start3A = arith.constant 0 : i32
    %dma_start3A_3 = tpu.memref_slice %arg2[%mul3A_2, %dma_start3A] : memref<8192x1024xf32, #tpu.memory_space<hbm>> -> memref<32x1024xf32, #tpu.memory_space<hbm>>
    %dma_start3A_4 = arith.constant 0 : i32
    %dma_start3A_5 = tpu.memref_slice %arg2[%mul3A_2, %dma_start3A_4] : memref<8192x1024xf32, #tpu.memory_space<hbm>> -> memref<32x1024xf32, #tpu.memory_space<hbm>>
    tpu.enqueue_dma source(%dma_start3A_5 : memref<32x1024xf32, #tpu.memory_space<hbm>>) target(%arg6 : memref<32x1024xf32, #tpu.memory_space<vmem>>) target_semaphore(%arg8 : memref<!tpu.dma_semaphore, #tpu.memory_space<semaphore_mem>>)
    %dma_wait3A = arith.constant 0 : i32
    %dma_wait3A_6 = tpu.memref_slice %arg2[%mul3A_2, %dma_wait3A] : memref<8192x1024xf32, #tpu.memory_space<hbm>> -> memref<32x1024xf32, #tpu.memory_space<hbm>>
    %dma_wait3A_7 = arith.constant 0 : i32
    %dma_wait3A_8 = tpu.memref_slice %arg2[%mul3A_2, %dma_wait3A_7] : memref<8192x1024xf32, #tpu.memory_space<hbm>> -> memref<32x1024xf32, #tpu.memory_space<hbm>>
    tpu.wait_dma2 semaphore(%arg8 : memref<!tpu.dma_semaphore, #tpu.memory_space<semaphore_mem>>) src(%dma_wait3A_8 : memref<32x1024xf32, #tpu.memory_space<hbm>>) dst(%arg6 : memref<32x1024xf32, #tpu.memory_space<vmem>>)
    %add3A_9 = arith.constant 32 : i32
    %add3A_10 = arith.addi %mul3A_2, %add3A_9 : i32
    %dma_start3A_11 = arith.constant 0 : i32
    %dma_start3A_12 = tpu.memref_slice %arg2[%add3A_10, %dma_start3A_11] : memref<8192x1024xf32, #tpu.memory_space<hbm>> -> memref<32x1024xf32, #tpu.memory_space<hbm>>
    %dma_start3A_13 = arith.constant 0 : i32
    %dma_start3A_14 = tpu.memref_slice %arg2[%add3A_10, %dma_start3A_13] : memref<8192x1024xf32, #tpu.memory_space<hbm>> -> memref<32x1024xf32, #tpu.memory_space<hbm>>
    tpu.enqueue_dma source(%dma_start3A_14 : memref<32x1024xf32, #tpu.memory_space<hbm>>) target(%arg7 : memref<32x1024xf32, #tpu.memory_space<vmem>>) target_semaphore(%arg9 : memref<!tpu.dma_semaphore, #tpu.memory_space<semaphore_mem>>)
    %dma_start3A_15 = arith.constant 0 : i32
    %dma_start3A_16 = arith.constant 0 : i32
    %dma_start3A_17 = tpu.memref_slice %arg5[%dma_start3A_15, %dma_start3A_16] : memref<8x32xi32, #tpu.memory_space<vmem>> -> memref<1x32xi32, #tpu.memory_space<vmem>>
    %dma_start3A_18 = tpu.memref_squeeze %dma_start3A_17 : memref<1x32xi32, #tpu.memory_space<vmem>> -> memref<32xi32, #tpu.memory_space<vmem>>
    %dma_start3A_19 = arith.constant 0 : i32
    %dma_start3A_20 = arith.constant 0 : i32
    %dma_start3A_21 = tpu.memref_slice %arg4[%dma_start3A_19, %dma_start3A_20] : memref<10240x1024xf32, #tpu.memory_space<hbm>> -> memref<10240x1024xf32, #tpu.memory_space<hbm>>
    tpu.enqueue_indirect_dma source(%arg6 : memref<32x1024xf32, #tpu.memory_space<vmem>>) target(%dma_start3A_21 : memref<10240x1024xf32, #tpu.memory_space<hbm>>) offsets(%dma_start3A_18 : memref<32xi32, #tpu.memory_space<vmem>>) semaphore(%arg10 : memref<!tpu.dma_semaphore, #tpu.memory_space<semaphore_mem>>)
    %dma_wait3A_22 = arith.constant 0 : i32
    %dma_wait3A_23 = tpu.memref_slice %arg2[%add3A_10, %dma_wait3A_22] : memref<8192x1024xf32, #tpu.memory_space<hbm>> -> memref<32x1024xf32, #tpu.memory_space<hbm>>
    %dma_wait3A_24 = arith.constant 0 : i32
    %dma_wait3A_25 = tpu.memref_slice %arg2[%add3A_10, %dma_wait3A_24] : memref<8192x1024xf32, #tpu.memory_space<hbm>> -> memref<32x1024xf32, #tpu.memory_space<hbm>>
    tpu.wait_dma2 semaphore(%arg9 : memref<!tpu.dma_semaphore, #tpu.memory_space<semaphore_mem>>) src(%dma_wait3A_25 : memref<32x1024xf32, #tpu.memory_space<hbm>>) dst(%arg7 : memref<32x1024xf32, #tpu.memory_space<vmem>>)
    %dma_wait3A_26 = arith.constant 0 : i32
    %dma_wait3A_27 = arith.constant 0 : i32
    %dma_wait3A_28 = tpu.memref_slice %arg5[%dma_wait3A_26, %dma_wait3A_27] : memref<8x32xi32, #tpu.memory_space<vmem>> -> memref<1x32xi32, #tpu.memory_space<vmem>>
    %dma_wait3A_29 = tpu.memref_squeeze %dma_wait3A_28 : memref<1x32xi32, #tpu.memory_space<vmem>> -> memref<32xi32, #tpu.memory_space<vmem>>
    %dma_wait3A_30 = arith.constant 0 : i32
    %dma_wait3A_31 = arith.constant 0 : i32
    %dma_wait3A_32 = tpu.memref_slice %arg4[%dma_wait3A_30, %dma_wait3A_31] : memref<10240x1024xf32, #tpu.memory_space<hbm>> -> memref<10240x1024xf32, #tpu.memory_space<hbm>>
    tpu.wait_indirect_dma semaphore(%arg10 : memref<!tpu.dma_semaphore, #tpu.memory_space<semaphore_mem>>) src(%arg6 : memref<32x1024xf32, #tpu.memory_space<vmem>>) dst(%dma_wait3A_32 : memref<10240x1024xf32, #tpu.memory_space<hbm>>)
    %add3A_33 = arith.constant 64 : i32
    %add3A_34 = arith.addi %mul3A_2, %add3A_33 : i32
    %dma_start3A_35 = arith.constant 0 : i32
    %dma_start3A_36 = tpu.memref_slice %arg2[%add3A_34, %dma_start3A_35] : memref<8192x1024xf32, #tpu.memory_space<hbm>> -> memref<32x1024xf32, #tpu.memory_space<hbm>>
    %dma_start3A_37 = arith.constant 0 : i32
    %dma_start3A_38 = tpu.memref_slice %arg2[%add3A_34, %dma_start3A_37] : memref<8192x1024xf32, #tpu.memory_space<hbm>> -> memref<32x1024xf32, #tpu.memory_space<hbm>>
    tpu.enqueue_dma source(%dma_start3A_38 : memref<32x1024xf32, #tpu.memory_space<hbm>>) target(%arg6 : memref<32x1024xf32, #tpu.memory_space<vmem>>) target_semaphore(%arg8 : memref<!tpu.dma_semaphore, #tpu.memory_space<semaphore_mem>>)
    %dma_start3A_39 = arith.constant 1 : i32
    %dma_start3A_40 = arith.constant 0 : i32
    %dma_start3A_41 = tpu.memref_slice %arg5[%dma_start3A_39, %dma_start3A_40] : memref<8x32xi32, #tpu.memory_space<vmem>> -> memref<1x32xi32, #tpu.memory_space<vmem>>
    %dma_start3A_42 = tpu.memref_squeeze %dma_start3A_41 : memref<1x32xi32, #tpu.memory_space<vmem>> -> memref<32xi32, #tpu.memory_space<vmem>>
    %dma_start3A_43 = arith.constant 0 : i32
    %dma_start3A_44 = arith.constant 0 : i32
    %dma_start3A_45 = tpu.memref_slice %arg4[%dma_start3A_43, %dma_start3A_44] : memref<10240x1024xf32, #tpu.memory_space<hbm>> -> memref<10240x1024xf32, #tpu.memory_space<hbm>>
    tpu.enqueue_indirect_dma source(%arg7 : memref<32x1024xf32, #tpu.memory_space<vmem>>) target(%dma_start3A_45 : memref<10240x1024xf32, #tpu.memory_space<hbm>>) offsets(%dma_start3A_42 : memref<32xi32, #tpu.memory_space<vmem>>) semaphore(%arg11 : memref<!tpu.dma_semaphore, #tpu.memory_space<semaphore_mem>>)
    %dma_wait3A_46 = arith.constant 0 : i32
    %dma_wait3A_47 = tpu.memref_slice %arg2[%add3A_34, %dma_wait3A_46] : memref<8192x1024xf32, #tpu.memory_space<hbm>> -> memref<32x1024xf32, #tpu.memory_space<hbm>>
    %dma_wait3A_48 = arith.constant 0 : i32
    %dma_wait3A_49 = tpu.memref_slice %arg2[%add3A_34, %dma_wait3A_48] : memref<8192x1024xf32, #tpu.memory_space<hbm>> -> memref<32x1024xf32, #tpu.memory_space<hbm>>
    tpu.wait_dma2 semaphore(%arg8 : memref<!tpu.dma_semaphore, #tpu.memory_space<semaphore_mem>>) src(%dma_wait3A_49 : memref<32x1024xf32, #tpu.memory_space<hbm>>) dst(%arg6 : memref<32x1024xf32, #tpu.memory_space<vmem>>)
    %dma_wait3A_50 = arith.constant 1 : i32
    %dma_wait3A_51 = arith.constant 0 : i32
    %dma_wait3A_52 = tpu.memref_slice %arg5[%dma_wait3A_50, %dma_wait3A_51] : memref<8x32xi32, #tpu.memory_space<vmem>> -> memref<1x32xi32, #tpu.memory_space<vmem>>
    %dma_wait3A_53 = tpu.memref_squeeze %dma_wait3A_52 : memref<1x32xi32, #tpu.memory_space<vmem>> -> memref<32xi32, #tpu.memory_space<vmem>>
    %dma_wait3A_54 = arith.constant 0 : i32
    %dma_wait3A_55 = arith.constant 0 : i32
    %dma_wait3A_56 = tpu.memref_slice %arg4[%dma_wait3A_54, %dma_wait3A_55] : memref<10240x1024xf32, #tpu.memory_space<hbm>> -> memref<10240x1024xf32, #tpu.memory_space<hbm>>
    tpu.wait_indirect_dma semaphore(%arg11 : memref<!tpu.dma_semaphore, #tpu.memory_space<semaphore_mem>>) src(%arg7 : memref<32x1024xf32, #tpu.memory_space<vmem>>) dst(%dma_wait3A_56 : memref<10240x1024xf32, #tpu.memory_space<hbm>>)
    %add3A_57 = arith.constant 96 : i32
    %add3A_58 = arith.addi %mul3A_2, %add3A_57 : i32
    %dma_start3A_59 = arith.constant 0 : i32
    %dma_start3A_60 = tpu.memref_slice %arg2[%add3A_58, %dma_start3A_59] : memref<8192x1024xf32, #tpu.memory_space<hbm>> -> memref<32x1024xf32, #tpu.memory_space<hbm>>
    %dma_start3A_61 = arith.constant 0 : i32
    %dma_start3A_62 = tpu.memref_slice %arg2[%add3A_58, %dma_start3A_61] : memref<8192x1024xf32, #tpu.memory_space<hbm>> -> memref<32x1024xf32, #tpu.memory_space<hbm>>
    tpu.enqueue_dma source(%dma_start3A_62 : memref<32x1024xf32, #tpu.memory_space<hbm>>) target(%arg7 : memref<32x1024xf32, #tpu.memory_space<vmem>>) target_semaphore(%arg9 : memref<!tpu.dma_semaphore, #tpu.memory_space<semaphore_mem>>)
    %dma_start3A_63 = arith.constant 2 : i32
    %dma_start3A_64 = arith.constant 0 : i32
    %dma_start3A_65 = tpu.memref_slice %arg5[%dma_start3A_63, %dma_start3A_64] : memref<8x32xi32, #tpu.memory_space<vmem>> -> memref<1x32xi32, #tpu.memory_space<vmem>>
    %dma_start3A_66 = tpu.memref_squeeze %dma_start3A_65 : memref<1x32xi32, #tpu.memory_space<vmem>> -> memref<32xi32, #tpu.memory_space<vmem>>
    %dma_start3A_67 = arith.constant 0 : i32
    %dma_start3A_68 = arith.constant 0 : i32
    %dma_start3A_69 = tpu.memref_slice %arg4[%dma_start3A_67, %dma_start3A_68] : memref<10240x1024xf32, #tpu.memory_space<hbm>> -> memref<10240x1024xf32, #tpu.memory_space<hbm>>
    tpu.enqueue_indirect_dma source(%arg6 : memref<32x1024xf32, #tpu.memory_space<vmem>>) target(%dma_start3A_69 : memref<10240x1024xf32, #tpu.memory_space<hbm>>) offsets(%dma_start3A_66 : memref<32xi32, #tpu.memory_space<vmem>>) semaphore(%arg10 : memref<!tpu.dma_semaphore, #tpu.memory_space<semaphore_mem>>)
    %dma_wait3A_70 = arith.constant 0 : i32
    %dma_wait3A_71 = tpu.memref_slice %arg2[%add3A_58, %dma_wait3A_70] : memref<8192x1024xf32, #tpu.memory_space<hbm>> -> memref<32x1024xf32, #tpu.memory_space<hbm>>
    %dma_wait3A_72 = arith.constant 0 : i32
    %dma_wait3A_73 = tpu.memref_slice %arg2[%add3A_58, %dma_wait3A_72] : memref<8192x1024xf32, #tpu.memory_space<hbm>> -> memref<32x1024xf32, #tpu.memory_space<hbm>>
    tpu.wait_dma2 semaphore(%arg9 : memref<!tpu.dma_semaphore, #tpu.memory_space<semaphore_mem>>) src(%dma_wait3A_73 : memref<32x1024xf32, #tpu.memory_space<hbm>>) dst(%arg7 : memref<32x1024xf32, #tpu.memory_space<vmem>>)
    %dma_wait3A_74 = arith.constant 2 : i32
    %dma_wait3A_75 = arith.constant 0 : i32
    %dma_wait3A_76 = tpu.memref_slice %arg5[%dma_wait3A_74, %dma_wait3A_75] : memref<8x32xi32, #tpu.memory_space<vmem>> -> memref<1x32xi32, #tpu.memory_space<vmem>>
    %dma_wait3A_77 = tpu.memref_squeeze %dma_wait3A_76 : memref<1x32xi32, #tpu.memory_space<vmem>> -> memref<32xi32, #tpu.memory_space<vmem>>
    %dma_wait3A_78 = arith.constant 0 : i32
    %dma_wait3A_79 = arith.constant 0 : i32
    %dma_wait3A_80 = tpu.memref_slice %arg4[%dma_wait3A_78, %dma_wait3A_79] : memref<10240x1024xf32, #tpu.memory_space<hbm>> -> memref<10240x1024xf32, #tpu.memory_space<hbm>>
    tpu.wait_indirect_dma semaphore(%arg10 : memref<!tpu.dma_semaphore, #tpu.memory_space<semaphore_mem>>) src(%arg6 : memref<32x1024xf32, #tpu.memory_space<vmem>>) dst(%dma_wait3A_80 : memref<10240x1024xf32, #tpu.memory_space<hbm>>)
    %add3A_81 = arith.constant 128 : i32
    %add3A_82 = arith.addi %mul3A_2, %add3A_81 : i32
    %dma_start3A_83 = arith.constant 0 : i32
    %dma_start3A_84 = tpu.memref_slice %arg2[%add3A_82, %dma_start3A_83] : memref<8192x1024xf32, #tpu.memory_space<hbm>> -> memref<32x1024xf32, #tpu.memory_space<hbm>>
    %dma_start3A_85 = arith.constant 0 : i32
    %dma_start3A_86 = tpu.memref_slice %arg2[%add3A_82, %dma_start3A_85] : memref<8192x1024xf32, #tpu.memory_space<hbm>> -> memref<32x1024xf32, #tpu.memory_space<hbm>>
    tpu.enqueue_dma source(%dma_start3A_86 : memref<32x1024xf32, #tpu.memory_space<hbm>>) target(%arg6 : memref<32x1024xf32, #tpu.memory_space<vmem>>) target_semaphore(%arg8 : memref<!tpu.dma_semaphore, #tpu.memory_space<semaphore_mem>>)
    %dma_start3A_87 = arith.constant 3 : i32
    %dma_start3A_88 = arith.constant 0 : i32
    %dma_start3A_89 = tpu.memref_slice %arg5[%dma_start3A_87, %dma_start3A_88] : memref<8x32xi32, #tpu.memory_space<vmem>> -> memref<1x32xi32, #tpu.memory_space<vmem>>
    %dma_start3A_90 = tpu.memref_squeeze %dma_start3A_89 : memref<1x32xi32, #tpu.memory_space<vmem>> -> memref<32xi32, #tpu.memory_space<vmem>>
    %dma_start3A_91 = arith.constant 0 : i32
    %dma_start3A_92 = arith.constant 0 : i32
    %dma_start3A_93 = tpu.memref_slice %arg4[%dma_start3A_91, %dma_start3A_92] : memref<10240x1024xf32, #tpu.memory_space<hbm>> -> memref<10240x1024xf32, #tpu.memory_space<hbm>>
    tpu.enqueue_indirect_dma source(%arg7 : memref<32x1024xf32, #tpu.memory_space<vmem>>) target(%dma_start3A_93 : memref<10240x1024xf32, #tpu.memory_space<hbm>>) offsets(%dma_start3A_90 : memref<32xi32, #tpu.memory_space<vmem>>) semaphore(%arg11 : memref<!tpu.dma_semaphore, #tpu.memory_space<semaphore_mem>>)
    %dma_wait3A_94 = arith.constant 0 : i32
    %dma_wait3A_95 = tpu.memref_slice %arg2[%add3A_82, %dma_wait3A_94] : memref<8192x1024xf32, #tpu.memory_space<hbm>> -> memref<32x1024xf32, #tpu.memory_space<hbm>>
    %dma_wait3A_96 = arith.constant 0 : i32
    %dma_wait3A_97 = tpu.memref_slice %arg2[%add3A_82, %dma_wait3A_96] : memref<8192x1024xf32, #tpu.memory_space<hbm>> -> memref<32x1024xf32, #tpu.memory_space<hbm>>
    tpu.wait_dma2 semaphore(%arg8 : memref<!tpu.dma_semaphore, #tpu.memory_space<semaphore_mem>>) src(%dma_wait3A_97 : memref<32x1024xf32, #tpu.memory_space<hbm>>) dst(%arg6 : memref<32x1024xf32, #tpu.memory_space<vmem>>)
    %dma_wait3A_98 = arith.constant 3 : i32
    %dma_wait3A_99 = arith.constant 0 : i32
    %dma_wait3A_100 = tpu.memref_slice %arg5[%dma_wait3A_98, %dma_wait3A_99] : memref<8x32xi32, #tpu.memory_space<vmem>> -> memref<1x32xi32, #tpu.memory_space<vmem>>
    %dma_wait3A_101 = tpu.memref_squeeze %dma_wait3A_100 : memref<1x32xi32, #tpu.memory_space<vmem>> -> memref<32xi32, #tpu.memory_space<vmem>>
    %dma_wait3A_102 = arith.constant 0 : i32
    %dma_wait3A_103 = arith.constant 0 : i32
    %dma_wait3A_104 = tpu.memref_slice %arg4[%dma_wait3A_102, %dma_wait3A_103] : memref<10240x1024xf32, #tpu.memory_space<hbm>> -> memref<10240x1024xf32, #tpu.memory_space<hbm>>
    tpu.wait_indirect_dma semaphore(%arg11 : memref<!tpu.dma_semaphore, #tpu.memory_space<semaphore_mem>>) src(%arg7 : memref<32x1024xf32, #tpu.memory_space<vmem>>) dst(%dma_wait3A_104 : memref<10240x1024xf32, #tpu.memory_space<hbm>>)
    %add3A_105 = arith.constant 160 : i32
    %add3A_106 = arith.addi %mul3A_2, %add3A_105 : i32
    %dma_start3A_107 = arith.constant 0 : i32
    %dma_start3A_108 = tpu.memref_slice %arg2[%add3A_106, %dma_start3A_107] : memref<8192x1024xf32, #tpu.memory_space<hbm>> -> memref<32x1024xf32, #tpu.memory_space<hbm>>
    %dma_start3A_109 = arith.constant 0 : i32
    %dma_start3A_110 = tpu.memref_slice %arg2[%add3A_106, %dma_start3A_109] : memref<8192x1024xf32, #tpu.memory_space<hbm>> -> memref<32x1024xf32, #tpu.memory_space<hbm>>
    tpu.enqueue_dma source(%dma_start3A_110 : memref<32x1024xf32, #tpu.memory_space<hbm>>) target(%arg7 : memref<32x1024xf32, #tpu.memory_space<vmem>>) target_semaphore(%arg9 : memref<!tpu.dma_semaphore, #tpu.memory_space<semaphore_mem>>)
    %dma_start3A_111 = arith.constant 4 : i32
    %dma_start3A_112 = arith.constant 0 : i32
    %dma_start3A_113 = tpu.memref_slice %arg5[%dma_start3A_111, %dma_start3A_112] : memref<8x32xi32, #tpu.memory_space<vmem>> -> memref<1x32xi32, #tpu.memory_space<vmem>>
    %dma_start3A_114 = tpu.memref_squeeze %dma_start3A_113 : memref<1x32xi32, #tpu.memory_space<vmem>> -> memref<32xi32, #tpu.memory_space<vmem>>
    %dma_start3A_115 = arith.constant 0 : i32
    %dma_start3A_116 = arith.constant 0 : i32
    %dma_start3A_117 = tpu.memref_slice %arg4[%dma_start3A_115, %dma_start3A_116] : memref<10240x1024xf32, #tpu.memory_space<hbm>> -> memref<10240x1024xf32, #tpu.memory_space<hbm>>
    tpu.enqueue_indirect_dma source(%arg6 : memref<32x1024xf32, #tpu.memory_space<vmem>>) target(%dma_start3A_117 : memref<10240x1024xf32, #tpu.memory_space<hbm>>) offsets(%dma_start3A_114 : memref<32xi32, #tpu.memory_space<vmem>>) semaphore(%arg10 : memref<!tpu.dma_semaphore, #tpu.memory_space<semaphore_mem>>)
    %dma_wait3A_118 = arith.constant 0 : i32
    %dma_wait3A_119 = tpu.memref_slice %arg2[%add3A_106, %dma_wait3A_118] : memref<8192x1024xf32, #tpu.memory_space<hbm>> -> memref<32x1024xf32, #tpu.memory_space<hbm>>
    %dma_wait3A_120 = arith.constant 0 : i32
    %dma_wait3A_121 = tpu.memref_slice %arg2[%add3A_106, %dma_wait3A_120] : memref<8192x1024xf32, #tpu.memory_space<hbm>> -> memref<32x1024xf32, #tpu.memory_space<hbm>>
    tpu.wait_dma2 semaphore(%arg9 : memref<!tpu.dma_semaphore, #tpu.memory_space<semaphore_mem>>) src(%dma_wait3A_121 : memref<32x1024xf32, #tpu.memory_space<hbm>>) dst(%arg7 : memref<32x1024xf32, #tpu.memory_space<vmem>>)
    %dma_wait3A_122 = arith.constant 4 : i32
    %dma_wait3A_123 = arith.constant 0 : i32
    %dma_wait3A_124 = tpu.memref_slice %arg5[%dma_wait3A_122, %dma_wait3A_123] : memref<8x32xi32, #tpu.memory_space<vmem>> -> memref<1x32xi32, #tpu.memory_space<vmem>>
    %dma_wait3A_125 = tpu.memref_squeeze %dma_wait3A_124 : memref<1x32xi32, #tpu.memory_space<vmem>> -> memref<32xi32, #tpu.memory_space<vmem>>
    %dma_wait3A_126 = arith.constant 0 : i32
    %dma_wait3A_127 = arith.constant 0 : i32
    %dma_wait3A_128 = tpu.memref_slice %arg4[%dma_wait3A_126, %dma_wait3A_127] : memref<10240x1024xf32, #tpu.memory_space<hbm>> -> memref<10240x1024xf32, #tpu.memory_space<hbm>>
    tpu.wait_indirect_dma semaphore(%arg10 : memref<!tpu.dma_semaphore, #tpu.memory_space<semaphore_mem>>) src(%arg6 : memref<32x1024xf32, #tpu.memory_space<vmem>>) dst(%dma_wait3A_128 : memref<10240x1024xf32, #tpu.memory_space<hbm>>)
    %add3A_129 = arith.constant 192 : i32
    %add3A_130 = arith.addi %mul3A_2, %add3A_129 : i32
    %dma_start3A_131 = arith.constant 0 : i32
    %dma_start3A_132 = tpu.memref_slice %arg2[%add3A_130, %dma_start3A_131] : memref<8192x1024xf32, #tpu.memory_space<hbm>> -> memref<32x1024xf32, #tpu.memory_space<hbm>>
    %dma_start3A_133 = arith.constant 0 : i32
    %dma_start3A_134 = tpu.memref_slice %arg2[%add3A_130, %dma_start3A_133] : memref<8192x1024xf32, #tpu.memory_space<hbm>> -> memref<32x1024xf32, #tpu.memory_space<hbm>>
    tpu.enqueue_dma source(%dma_start3A_134 : memref<32x1024xf32, #tpu.memory_space<hbm>>) target(%arg6 : memref<32x1024xf32, #tpu.memory_space<vmem>>) target_semaphore(%arg8 : memref<!tpu.dma_semaphore, #tpu.memory_space<semaphore_mem>>)
    %dma_start3A_135 = arith.constant 5 : i32
    %dma_start3A_136 = arith.constant 0 : i32
    %dma_start3A_137 = tpu.memref_slice %arg5[%dma_start3A_135, %dma_start3A_136] : memref<8x32xi32, #tpu.memory_space<vmem>> -> memref<1x32xi32, #tpu.memory_space<vmem>>
    %dma_start3A_138 = tpu.memref_squeeze %dma_start3A_137 : memref<1x32xi32, #tpu.memory_space<vmem>> -> memref<32xi32, #tpu.memory_space<vmem>>
    %dma_start3A_139 = arith.constant 0 : i32
    %dma_start3A_140 = arith.constant 0 : i32
    %dma_start3A_141 = tpu.memref_slice %arg4[%dma_start3A_139, %dma_start3A_140] : memref<10240x1024xf32, #tpu.memory_space<hbm>> -> memref<10240x1024xf32, #tpu.memory_space<hbm>>
    tpu.enqueue_indirect_dma source(%arg7 : memref<32x1024xf32, #tpu.memory_space<vmem>>) target(%dma_start3A_141 : memref<10240x1024xf32, #tpu.memory_space<hbm>>) offsets(%dma_start3A_138 : memref<32xi32, #tpu.memory_space<vmem>>) semaphore(%arg11 : memref<!tpu.dma_semaphore, #tpu.memory_space<semaphore_mem>>)
    %dma_wait3A_142 = arith.constant 0 : i32
    %dma_wait3A_143 = tpu.memref_slice %arg2[%add3A_130, %dma_wait3A_142] : memref<8192x1024xf32, #tpu.memory_space<hbm>> -> memref<32x1024xf32, #tpu.memory_space<hbm>>
    %dma_wait3A_144 = arith.constant 0 : i32
    %dma_wait3A_145 = tpu.memref_slice %arg2[%add3A_130, %dma_wait3A_144] : memref<8192x1024xf32, #tpu.memory_space<hbm>> -> memref<32x1024xf32, #tpu.memory_space<hbm>>
    tpu.wait_dma2 semaphore(%arg8 : memref<!tpu.dma_semaphore, #tpu.memory_space<semaphore_mem>>) src(%dma_wait3A_145 : memref<32x1024xf32, #tpu.memory_space<hbm>>) dst(%arg6 : memref<32x1024xf32, #tpu.memory_space<vmem>>)
    %dma_wait3A_146 = arith.constant 5 : i32
    %dma_wait3A_147 = arith.constant 0 : i32
    %dma_wait3A_148 = tpu.memref_slice %arg5[%dma_wait3A_146, %dma_wait3A_147] : memref<8x32xi32, #tpu.memory_space<vmem>> -> memref<1x32xi32, #tpu.memory_space<vmem>>
    %dma_wait3A_149 = tpu.memref_squeeze %dma_wait3A_148 : memref<1x32xi32, #tpu.memory_space<vmem>> -> memref<32xi32, #tpu.memory_space<vmem>>
    %dma_wait3A_150 = arith.constant 0 : i32
    %dma_wait3A_151 = arith.constant 0 : i32
    %dma_wait3A_152 = tpu.memref_slice %arg4[%dma_wait3A_150, %dma_wait3A_151] : memref<10240x1024xf32, #tpu.memory_space<hbm>> -> memref<10240x1024xf32, #tpu.memory_space<hbm>>
    tpu.wait_indirect_dma semaphore(%arg11 : memref<!tpu.dma_semaphore, #tpu.memory_space<semaphore_mem>>) src(%arg7 : memref<32x1024xf32, #tpu.memory_space<vmem>>) dst(%dma_wait3A_152 : memref<10240x1024xf32, #tpu.memory_space<hbm>>)
    %add3A_153 = arith.constant 224 : i32
    %add3A_154 = arith.addi %mul3A_2, %add3A_153 : i32
    %dma_start3A_155 = arith.constant 0 : i32
    %dma_start3A_156 = tpu.memref_slice %arg2[%add3A_154, %dma_start3A_155] : memref<8192x1024xf32, #tpu.memory_space<hbm>> -> memref<32x1024xf32, #tpu.memory_space<hbm>>
    %dma_start3A_157 = arith.constant 0 : i32
    %dma_start3A_158 = tpu.memref_slice %arg2[%add3A_154, %dma_start3A_157] : memref<8192x1024xf32, #tpu.memory_space<hbm>> -> memref<32x1024xf32, #tpu.memory_space<hbm>>
    tpu.enqueue_dma source(%dma_start3A_158 : memref<32x1024xf32, #tpu.memory_space<hbm>>) target(%arg7 : memref<32x1024xf32, #tpu.memory_space<vmem>>) target_semaphore(%arg9 : memref<!tpu.dma_semaphore, #tpu.memory_space<semaphore_mem>>)
    %dma_start3A_159 = arith.constant 6 : i32
    %dma_start3A_160 = arith.constant 0 : i32
    %dma_start3A_161 = tpu.memref_slice %arg5[%dma_start3A_159, %dma_start3A_160] : memref<8x32xi32, #tpu.memory_space<vmem>> -> memref<1x32xi32, #tpu.memory_space<vmem>>
    %dma_start3A_162 = tpu.memref_squeeze %dma_start3A_161 : memref<1x32xi32, #tpu.memory_space<vmem>> -> memref<32xi32, #tpu.memory_space<vmem>>
    %dma_start3A_163 = arith.constant 0 : i32
    %dma_start3A_164 = arith.constant 0 : i32
    %dma_start3A_165 = tpu.memref_slice %arg4[%dma_start3A_163, %dma_start3A_164] : memref<10240x1024xf32, #tpu.memory_space<hbm>> -> memref<10240x1024xf32, #tpu.memory_space<hbm>>
    tpu.enqueue_indirect_dma source(%arg6 : memref<32x1024xf32, #tpu.memory_space<vmem>>) target(%dma_start3A_165 : memref<10240x1024xf32, #tpu.memory_space<hbm>>) offsets(%dma_start3A_162 : memref<32xi32, #tpu.memory_space<vmem>>) semaphore(%arg10 : memref<!tpu.dma_semaphore, #tpu.memory_space<semaphore_mem>>)
    %dma_wait3A_166 = arith.constant 0 : i32
    %dma_wait3A_167 = tpu.memref_slice %arg2[%add3A_154, %dma_wait3A_166] : memref<8192x1024xf32, #tpu.memory_space<hbm>> -> memref<32x1024xf32, #tpu.memory_space<hbm>>
    %dma_wait3A_168 = arith.constant 0 : i32
    %dma_wait3A_169 = tpu.memref_slice %arg2[%add3A_154, %dma_wait3A_168] : memref<8192x1024xf32, #tpu.memory_space<hbm>> -> memref<32x1024xf32, #tpu.memory_space<hbm>>
    tpu.wait_dma2 semaphore(%arg9 : memref<!tpu.dma_semaphore, #tpu.memory_space<semaphore_mem>>) src(%dma_wait3A_169 : memref<32x1024xf32, #tpu.memory_space<hbm>>) dst(%arg7 : memref<32x1024xf32, #tpu.memory_space<vmem>>)
    %dma_start3A_170 = arith.constant 7 : i32
    %dma_start3A_171 = arith.constant 0 : i32
    %dma_start3A_172 = tpu.memref_slice %arg5[%dma_start3A_170, %dma_start3A_171] : memref<8x32xi32, #tpu.memory_space<vmem>> -> memref<1x32xi32, #tpu.memory_space<vmem>>
    %dma_start3A_173 = tpu.memref_squeeze %dma_start3A_172 : memref<1x32xi32, #tpu.memory_space<vmem>> -> memref<32xi32, #tpu.memory_space<vmem>>
    %dma_start3A_174 = arith.constant 0 : i32
    %dma_start3A_175 = arith.constant 0 : i32
    %dma_start3A_176 = tpu.memref_slice %arg4[%dma_start3A_174, %dma_start3A_175] : memref<10240x1024xf32, #tpu.memory_space<hbm>> -> memref<10240x1024xf32, #tpu.memory_space<hbm>>
    tpu.enqueue_indirect_dma source(%arg7 : memref<32x1024xf32, #tpu.memory_space<vmem>>) target(%dma_start3A_176 : memref<10240x1024xf32, #tpu.memory_space<hbm>>) offsets(%dma_start3A_173 : memref<32xi32, #tpu.memory_space<vmem>>) semaphore(%arg11 : memref<!tpu.dma_semaphore, #tpu.memory_space<semaphore_mem>>)
    %dma_wait3A_177 = arith.constant 6 : i32
    %dma_wait3A_178 = arith.constant 0 : i32
    %dma_wait3A_179 = tpu.memref_slice %arg5[%dma_wait3A_177, %dma_wait3A_178] : memref<8x32xi32, #tpu.memory_space<vmem>> -> memref<1x32xi32, #tpu.memory_space<vmem>>
    %dma_wait3A_180 = tpu.memref_squeeze %dma_wait3A_179 : memref<1x32xi32, #tpu.memory_space<vmem>> -> memref<32xi32, #tpu.memory_space<vmem>>
    %dma_wait3A_181 = arith.constant 0 : i32
    %dma_wait3A_182 = arith.constant 0 : i32
    %dma_wait3A_183 = tpu.memref_slice %arg4[%dma_wait3A_181, %dma_wait3A_182] : memref<10240x1024xf32, #tpu.memory_space<hbm>> -> memref<10240x1024xf32, #tpu.memory_space<hbm>>
    tpu.wait_indirect_dma semaphore(%arg10 : memref<!tpu.dma_semaphore, #tpu.memory_space<semaphore_mem>>) src(%arg6 : memref<32x1024xf32, #tpu.memory_space<vmem>>) dst(%dma_wait3A_183 : memref<10240x1024xf32, #tpu.memory_space<hbm>>)
    %dma_wait3A_184 = arith.constant 7 : i32
    %dma_wait3A_185 = arith.constant 0 : i32
    %dma_wait3A_186 = tpu.memref_slice %arg5[%dma_wait3A_184, %dma_wait3A_185] : memref<8x32xi32, #tpu.memory_space<vmem>> -> memref<1x32xi32, #tpu.memory_space<vmem>>
    %dma_wait3A_187 = tpu.memref_squeeze %dma_wait3A_186 : memref<1x32xi32, #tpu.memory_space<vmem>> -> memref<32xi32, #tpu.memory_space<vmem>>
    %dma_wait3A_188 = arith.constant 0 : i32
    %dma_wait3A_189 = arith.constant 0 : i32
    %dma_wait3A_190 = tpu.memref_slice %arg4[%dma_wait3A_188, %dma_wait3A_189] : memref<10240x1024xf32, #tpu.memory_space<hbm>> -> memref<10240x1024xf32, #tpu.memory_space<hbm>>
    tpu.wait_indirect_dma semaphore(%arg11 : memref<!tpu.dma_semaphore, #tpu.memory_space<semaphore_mem>>) src(%arg7 : memref<32x1024xf32, #tpu.memory_space<vmem>>) dst(%dma_wait3A_190 : memref<10240x1024xf32, #tpu.memory_space<hbm>>)
    return
  }
}

module attributes {stable_mosaic.version = 14 : i64} {
  func.func @_mlp_body(%arg0: i32, %arg1: memref<4x41xi32, #tpu.memory_space<smem>>, %arg2: memref<256x1024xf32, #tpu.memory_space<vmem>>, %arg3: memref<8x1024x2048xf32, #tpu.memory_space<any>>, %arg4: memref<8x2048x2048xf32, #tpu.memory_space<any>>, %arg5: memref<1x1x2048xf32, #tpu.memory_space<vmem>>, %arg6: memref<1x1x2048xf32, #tpu.memory_space<vmem>>, %arg7: memref<1x1x2048xf32, #tpu.memory_space<vmem>>, %arg8: memref<8xf32, #tpu.memory_space<smem>>, %arg9: memref<1x1x256xf32, #tpu.memory_space<vmem>>, %arg10: memref<2x1024x2048xf32, #tpu.memory_space<vmem>>, %arg11: memref<2x2048x2048xf32, #tpu.memory_space<vmem>>, %arg12: memref<2x3x!tpu.dma_semaphore, #tpu.memory_space<semaphore_mem>>) attributes {dimension_semantics = [#tpu.dimension_semantics<arbitrary>], iteration_bounds = array<i64: 40>, scalar_prefetch = 1 : i64, scratch_operands = 3 : i64, tpu.core_type = #tpu.core_type<tc>, window_params = [{transform_indices = @transform_0, window_bounds = array<i64: 256, 1024>}, {}, {}, {transform_indices = @transform_3, window_bounds = array<i64: 1, 1, 2048>}, {transform_indices = @transform_4, window_bounds = array<i64: 1, 1, 2048>}, {transform_indices = @transform_5, window_bounds = array<i64: 1, 1, 2048>}, {transform_indices = @transform_6, window_bounds = array<i64: 8>}, {transform_indices = @transform_7, window_bounds = array<i64: 1, 1, 256>}]} {
    %get3A = arith.constant 0 : index
    %get3A_0 = arith.index_cast %arg0 : i32 to index
    %get3A_1 = memref.load %arg1[%get3A, %get3A_0] : memref<4x41xi32, #tpu.memory_space<smem>>
    %get3A_2 = arith.constant 1 : index
    %get3A_3 = arith.index_cast %arg0 : i32 to index
    %get3A_4 = memref.load %arg1[%get3A_2, %get3A_3] : memref<4x41xi32, #tpu.memory_space<smem>>
    %get3A_5 = arith.constant 2 : index
    %get3A_6 = arith.index_cast %arg0 : i32 to index
    %get3A_7 = memref.load %arg1[%get3A_5, %get3A_6] : memref<4x41xi32, #tpu.memory_space<smem>>
    %get3A_8 = arith.constant 3 : index
    %get3A_9 = arith.index_cast %arg0 : i32 to index
    %get3A_10 = memref.load %arg1[%get3A_8, %get3A_9] : memref<4x41xi32, #tpu.memory_space<smem>>
    %get3A_11 = arith.constant 0 : index
    %get3A_12 = arith.constant 40 : index
    %get3A_13 = memref.load %arg1[%get3A_11, %get3A_12] : memref<4x41xi32, #tpu.memory_space<smem>>
    %eq3A = arith.constant 0 : i32
    %eq3A_14 = arith.cmpi eq, %arg0, %eq3A : i32
    %convert_element_type3A = arith.extui %eq3A_14 : i1 to i32
    %cond3A = arith.constant 0 : i32
    %cond3A_15 = arith.cmpi ne, %convert_element_type3A, %cond3A : i32
    scf.if %cond3A_15 {
      %dma_start3A = arith.constant 0 : i32
      %dma_start3A_30 = arith.constant 0 : i32
      %dma_start3A_31 = arith.constant 0 : i32
      %dma_start3A_32 = tpu.memref_slice %arg12[%dma_start3A_30, %dma_start3A_31] : memref<2x3x!tpu.dma_semaphore, #tpu.memory_space<semaphore_mem>> -> memref<1x1x!tpu.dma_semaphore, #tpu.memory_space<semaphore_mem>>
      %dma_start3A_33 = tpu.memref_squeeze %dma_start3A_32 : memref<1x1x!tpu.dma_semaphore, #tpu.memory_space<semaphore_mem>> -> memref<!tpu.dma_semaphore, #tpu.memory_space<semaphore_mem>>
      %dma_start3A_34 = arith.constant 0 : i32
      %dma_start3A_35 = arith.constant 0 : i32
      %dma_start3A_36 = tpu.memref_slice %arg10[%dma_start3A, %dma_start3A_34, %dma_start3A_35] : memref<2x1024x2048xf32, #tpu.memory_space<vmem>> -> memref<1x1024x2048xf32, #tpu.memory_space<vmem>>
      %dma_start3A_37 = tpu.memref_squeeze %dma_start3A_36 : memref<1x1024x2048xf32, #tpu.memory_space<vmem>> -> memref<1024x2048xf32, #tpu.memory_space<vmem>>
      %dma_start3A_38 = arith.constant 0 : i32
      %dma_start3A_39 = arith.constant 0 : i32
      %dma_start3A_40 = tpu.memref_slice %arg3[%get3A_1, %dma_start3A_38, %dma_start3A_39] : memref<8x1024x2048xf32, #tpu.memory_space<any>> -> memref<1x1024x2048xf32, #tpu.memory_space<any>>
      %dma_start3A_41 = tpu.memref_squeeze %dma_start3A_40 : memref<1x1024x2048xf32, #tpu.memory_space<any>> -> memref<1024x2048xf32, #tpu.memory_space<any>>
      tpu.enqueue_dma source(%dma_start3A_41 : memref<1024x2048xf32, #tpu.memory_space<any>>) target(%dma_start3A_37 : memref<1024x2048xf32, #tpu.memory_space<vmem>>) target_semaphore(%dma_start3A_33 : memref<!tpu.dma_semaphore, #tpu.memory_space<semaphore_mem>>)
      %dma_start3A_42 = arith.constant 0 : i32
      %dma_start3A_43 = arith.constant 0 : i32
      %dma_start3A_44 = arith.constant 1 : i32
      %dma_start3A_45 = tpu.memref_slice %arg12[%dma_start3A_43, %dma_start3A_44] : memref<2x3x!tpu.dma_semaphore, #tpu.memory_space<semaphore_mem>> -> memref<1x1x!tpu.dma_semaphore, #tpu.memory_space<semaphore_mem>>
      %dma_start3A_46 = tpu.memref_squeeze %dma_start3A_45 : memref<1x1x!tpu.dma_semaphore, #tpu.memory_space<semaphore_mem>> -> memref<!tpu.dma_semaphore, #tpu.memory_space<semaphore_mem>>
      %dma_start3A_47 = arith.constant 0 : i32
      %dma_start3A_48 = arith.constant 0 : i32
      %dma_start3A_49 = tpu.memref_slice %arg11[%dma_start3A_42, %dma_start3A_47, %dma_start3A_48] : memref<2x2048x2048xf32, #tpu.memory_space<vmem>> -> memref<1x1024x2048xf32, #tpu.memory_space<vmem>>
      %dma_start3A_50 = tpu.memref_squeeze %dma_start3A_49 : memref<1x1024x2048xf32, #tpu.memory_space<vmem>> -> memref<1024x2048xf32, #tpu.memory_space<vmem>>
      %dma_start3A_51 = arith.constant 0 : i32
      %dma_start3A_52 = arith.constant 0 : i32
      %dma_start3A_53 = tpu.memref_slice %arg4[%get3A_1, %dma_start3A_51, %dma_start3A_52] : memref<8x2048x2048xf32, #tpu.memory_space<any>> -> memref<1x1024x2048xf32, #tpu.memory_space<any>>
      %dma_start3A_54 = tpu.memref_squeeze %dma_start3A_53 : memref<1x1024x2048xf32, #tpu.memory_space<any>> -> memref<1024x2048xf32, #tpu.memory_space<any>>
      tpu.enqueue_dma source(%dma_start3A_54 : memref<1024x2048xf32, #tpu.memory_space<any>>) target(%dma_start3A_50 : memref<1024x2048xf32, #tpu.memory_space<vmem>>) target_semaphore(%dma_start3A_46 : memref<!tpu.dma_semaphore, #tpu.memory_space<semaphore_mem>>)
      %dma_start3A_55 = arith.constant 0 : i32
      %dma_start3A_56 = arith.constant 0 : i32
      %dma_start3A_57 = arith.constant 2 : i32
      %dma_start3A_58 = tpu.memref_slice %arg12[%dma_start3A_56, %dma_start3A_57] : memref<2x3x!tpu.dma_semaphore, #tpu.memory_space<semaphore_mem>> -> memref<1x1x!tpu.dma_semaphore, #tpu.memory_space<semaphore_mem>>
      %dma_start3A_59 = tpu.memref_squeeze %dma_start3A_58 : memref<1x1x!tpu.dma_semaphore, #tpu.memory_space<semaphore_mem>> -> memref<!tpu.dma_semaphore, #tpu.memory_space<semaphore_mem>>
      %dma_start3A_60 = arith.constant 1024 : i32
      %dma_start3A_61 = arith.constant 0 : i32
      %dma_start3A_62 = tpu.memref_slice %arg11[%dma_start3A_55, %dma_start3A_60, %dma_start3A_61] : memref<2x2048x2048xf32, #tpu.memory_space<vmem>> -> memref<1x1024x2048xf32, #tpu.memory_space<vmem>>
      %dma_start3A_63 = tpu.memref_squeeze %dma_start3A_62 : memref<1x1024x2048xf32, #tpu.memory_space<vmem>> -> memref<1024x2048xf32, #tpu.memory_space<vmem>>
      %dma_start3A_64 = arith.constant 1024 : i32
      %dma_start3A_65 = arith.constant 0 : i32
      %dma_start3A_66 = tpu.memref_slice %arg4[%get3A_1, %dma_start3A_64, %dma_start3A_65] : memref<8x2048x2048xf32, #tpu.memory_space<any>> -> memref<1x1024x2048xf32, #tpu.memory_space<any>>
      %dma_start3A_67 = tpu.memref_squeeze %dma_start3A_66 : memref<1x1024x2048xf32, #tpu.memory_space<any>> -> memref<1024x2048xf32, #tpu.memory_space<any>>
      tpu.enqueue_dma source(%dma_start3A_67 : memref<1024x2048xf32, #tpu.memory_space<any>>) target(%dma_start3A_63 : memref<1024x2048xf32, #tpu.memory_space<vmem>>) target_semaphore(%dma_start3A_59 : memref<!tpu.dma_semaphore, #tpu.memory_space<semaphore_mem>>)
    } else {
    }
    %eq3A_16 = arith.constant 1 : i32
    %eq3A_17 = arith.cmpi eq, %get3A_4, %eq3A_16 : i32
    %ge3A = arith.constant 0 : i32
    %ge3A_18 = arith.cmpi sge, %get3A_7, %ge3A : i32
    %and3A = arith.andi %eq3A_17, %ge3A_18 : i1
    %convert_element_type3A_19 = arith.extui %and3A : i1 to i32
    %cond3A_20 = arith.constant 0 : i32
    %cond3A_21 = arith.cmpi ne, %convert_element_type3A_19, %cond3A_20 : i32
    scf.if %cond3A_21 {
      %eq3A_30 = arith.constant 0 : i32
      %eq3A_31 = arith.cmpi eq, %get3A_10, %eq3A_30 : i32
      %convert_element_type3A_32 = arith.extui %eq3A_31 : i1 to i32
      %cond3A_33 = arith.constant 0 : i32
      %cond3A_34 = arith.cmpi ne, %convert_element_type3A_32, %cond3A_33 : i32
      scf.if %cond3A_34 {
        %dma_start3A = arith.constant 1 : i32
        %dma_start3A_40 = arith.constant 1 : i32
        %dma_start3A_41 = arith.constant 0 : i32
        %dma_start3A_42 = tpu.memref_slice %arg12[%dma_start3A_40, %dma_start3A_41] : memref<2x3x!tpu.dma_semaphore, #tpu.memory_space<semaphore_mem>> -> memref<1x1x!tpu.dma_semaphore, #tpu.memory_space<semaphore_mem>>
        %dma_start3A_43 = tpu.memref_squeeze %dma_start3A_42 : memref<1x1x!tpu.dma_semaphore, #tpu.memory_space<semaphore_mem>> -> memref<!tpu.dma_semaphore, #tpu.memory_space<semaphore_mem>>
        %dma_start3A_44 = arith.constant 0 : i32
        %dma_start3A_45 = arith.constant 0 : i32
        %dma_start3A_46 = tpu.memref_slice %arg10[%dma_start3A, %dma_start3A_44, %dma_start3A_45] : memref<2x1024x2048xf32, #tpu.memory_space<vmem>> -> memref<1x1024x2048xf32, #tpu.memory_space<vmem>>
        %dma_start3A_47 = tpu.memref_squeeze %dma_start3A_46 : memref<1x1024x2048xf32, #tpu.memory_space<vmem>> -> memref<1024x2048xf32, #tpu.memory_space<vmem>>
        %dma_start3A_48 = arith.constant 0 : i32
        %dma_start3A_49 = arith.constant 0 : i32
        %dma_start3A_50 = tpu.memref_slice %arg3[%get3A_7, %dma_start3A_48, %dma_start3A_49] : memref<8x1024x2048xf32, #tpu.memory_space<any>> -> memref<1x1024x2048xf32, #tpu.memory_space<any>>
        %dma_start3A_51 = tpu.memref_squeeze %dma_start3A_50 : memref<1x1024x2048xf32, #tpu.memory_space<any>> -> memref<1024x2048xf32, #tpu.memory_space<any>>
        tpu.enqueue_dma source(%dma_start3A_51 : memref<1024x2048xf32, #tpu.memory_space<any>>) target(%dma_start3A_47 : memref<1024x2048xf32, #tpu.memory_space<vmem>>) target_semaphore(%dma_start3A_43 : memref<!tpu.dma_semaphore, #tpu.memory_space<semaphore_mem>>)
        %dma_start3A_52 = arith.constant 1 : i32
        %dma_start3A_53 = arith.constant 1 : i32
        %dma_start3A_54 = arith.constant 1 : i32
        %dma_start3A_55 = tpu.memref_slice %arg12[%dma_start3A_53, %dma_start3A_54] : memref<2x3x!tpu.dma_semaphore, #tpu.memory_space<semaphore_mem>> -> memref<1x1x!tpu.dma_semaphore, #tpu.memory_space<semaphore_mem>>
        %dma_start3A_56 = tpu.memref_squeeze %dma_start3A_55 : memref<1x1x!tpu.dma_semaphore, #tpu.memory_space<semaphore_mem>> -> memref<!tpu.dma_semaphore, #tpu.memory_space<semaphore_mem>>
        %dma_start3A_57 = arith.constant 0 : i32
        %dma_start3A_58 = arith.constant 0 : i32
        %dma_start3A_59 = tpu.memref_slice %arg11[%dma_start3A_52, %dma_start3A_57, %dma_start3A_58] : memref<2x2048x2048xf32, #tpu.memory_space<vmem>> -> memref<1x1024x2048xf32, #tpu.memory_space<vmem>>
        %dma_start3A_60 = tpu.memref_squeeze %dma_start3A_59 : memref<1x1024x2048xf32, #tpu.memory_space<vmem>> -> memref<1024x2048xf32, #tpu.memory_space<vmem>>
        %dma_start3A_61 = arith.constant 0 : i32
        %dma_start3A_62 = arith.constant 0 : i32
        %dma_start3A_63 = tpu.memref_slice %arg4[%get3A_7, %dma_start3A_61, %dma_start3A_62] : memref<8x2048x2048xf32, #tpu.memory_space<any>> -> memref<1x1024x2048xf32, #tpu.memory_space<any>>
        %dma_start3A_64 = tpu.memref_squeeze %dma_start3A_63 : memref<1x1024x2048xf32, #tpu.memory_space<any>> -> memref<1024x2048xf32, #tpu.memory_space<any>>
        tpu.enqueue_dma source(%dma_start3A_64 : memref<1024x2048xf32, #tpu.memory_space<any>>) target(%dma_start3A_60 : memref<1024x2048xf32, #tpu.memory_space<vmem>>) target_semaphore(%dma_start3A_56 : memref<!tpu.dma_semaphore, #tpu.memory_space<semaphore_mem>>)
        %dma_start3A_65 = arith.constant 1 : i32
        %dma_start3A_66 = arith.constant 1 : i32
        %dma_start3A_67 = arith.constant 2 : i32
        %dma_start3A_68 = tpu.memref_slice %arg12[%dma_start3A_66, %dma_start3A_67] : memref<2x3x!tpu.dma_semaphore, #tpu.memory_space<semaphore_mem>> -> memref<1x1x!tpu.dma_semaphore, #tpu.memory_space<semaphore_mem>>
        %dma_start3A_69 = tpu.memref_squeeze %dma_start3A_68 : memref<1x1x!tpu.dma_semaphore, #tpu.memory_space<semaphore_mem>> -> memref<!tpu.dma_semaphore, #tpu.memory_space<semaphore_mem>>
        %dma_start3A_70 = arith.constant 1024 : i32
        %dma_start3A_71 = arith.constant 0 : i32
        %dma_start3A_72 = tpu.memref_slice %arg11[%dma_start3A_65, %dma_start3A_70, %dma_start3A_71] : memref<2x2048x2048xf32, #tpu.memory_space<vmem>> -> memref<1x1024x2048xf32, #tpu.memory_space<vmem>>
        %dma_start3A_73 = tpu.memref_squeeze %dma_start3A_72 : memref<1x1024x2048xf32, #tpu.memory_space<vmem>> -> memref<1024x2048xf32, #tpu.memory_space<vmem>>
        %dma_start3A_74 = arith.constant 1024 : i32
        %dma_start3A_75 = arith.constant 0 : i32
        %dma_start3A_76 = tpu.memref_slice %arg4[%get3A_7, %dma_start3A_74, %dma_start3A_75] : memref<8x2048x2048xf32, #tpu.memory_space<any>> -> memref<1x1024x2048xf32, #tpu.memory_space<any>>
        %dma_start3A_77 = tpu.memref_squeeze %dma_start3A_76 : memref<1x1024x2048xf32, #tpu.memory_space<any>> -> memref<1024x2048xf32, #tpu.memory_space<any>>
        tpu.enqueue_dma source(%dma_start3A_77 : memref<1024x2048xf32, #tpu.memory_space<any>>) target(%dma_start3A_73 : memref<1024x2048xf32, #tpu.memory_space<vmem>>) target_semaphore(%dma_start3A_69 : memref<!tpu.dma_semaphore, #tpu.memory_space<semaphore_mem>>)
      } else {
      }
      %eq3A_35 = arith.constant 1 : i32
      %eq3A_36 = arith.cmpi eq, %get3A_10, %eq3A_35 : i32
      %convert_element_type3A_37 = arith.extui %eq3A_36 : i1 to i32
      %cond3A_38 = arith.constant 0 : i32
      %cond3A_39 = arith.cmpi ne, %convert_element_type3A_37, %cond3A_38 : i32
      scf.if %cond3A_39 {
        %dma_start3A = arith.constant 0 : i32
        %dma_start3A_40 = arith.constant 0 : i32
        %dma_start3A_41 = arith.constant 0 : i32
        %dma_start3A_42 = tpu.memref_slice %arg12[%dma_start3A_40, %dma_start3A_41] : memref<2x3x!tpu.dma_semaphore, #tpu.memory_space<semaphore_mem>> -> memref<1x1x!tpu.dma_semaphore, #tpu.memory_space<semaphore_mem>>
        %dma_start3A_43 = tpu.memref_squeeze %dma_start3A_42 : memref<1x1x!tpu.dma_semaphore, #tpu.memory_space<semaphore_mem>> -> memref<!tpu.dma_semaphore, #tpu.memory_space<semaphore_mem>>
        %dma_start3A_44 = arith.constant 0 : i32
        %dma_start3A_45 = arith.constant 0 : i32
        %dma_start3A_46 = tpu.memref_slice %arg10[%dma_start3A, %dma_start3A_44, %dma_start3A_45] : memref<2x1024x2048xf32, #tpu.memory_space<vmem>> -> memref<1x1024x2048xf32, #tpu.memory_space<vmem>>
        %dma_start3A_47 = tpu.memref_squeeze %dma_start3A_46 : memref<1x1024x2048xf32, #tpu.memory_space<vmem>> -> memref<1024x2048xf32, #tpu.memory_space<vmem>>
        %dma_start3A_48 = arith.constant 0 : i32
        %dma_start3A_49 = arith.constant 0 : i32
        %dma_start3A_50 = tpu.memref_slice %arg3[%get3A_7, %dma_start3A_48, %dma_start3A_49] : memref<8x1024x2048xf32, #tpu.memory_space<any>> -> memref<1x1024x2048xf32, #tpu.memory_space<any>>
        %dma_start3A_51 = tpu.memref_squeeze %dma_start3A_50 : memref<1x1024x2048xf32, #tpu.memory_space<any>> -> memref<1024x2048xf32, #tpu.memory_space<any>>
        tpu.enqueue_dma source(%dma_start3A_51 : memref<1024x2048xf32, #tpu.memory_space<any>>) target(%dma_start3A_47 : memref<1024x2048xf32, #tpu.memory_space<vmem>>) target_semaphore(%dma_start3A_43 : memref<!tpu.dma_semaphore, #tpu.memory_space<semaphore_mem>>)
        %dma_start3A_52 = arith.constant 0 : i32
        %dma_start3A_53 = arith.constant 0 : i32
        %dma_start3A_54 = arith.constant 1 : i32
        %dma_start3A_55 = tpu.memref_slice %arg12[%dma_start3A_53, %dma_start3A_54] : memref<2x3x!tpu.dma_semaphore, #tpu.memory_space<semaphore_mem>> -> memref<1x1x!tpu.dma_semaphore, #tpu.memory_space<semaphore_mem>>
        %dma_start3A_56 = tpu.memref_squeeze %dma_start3A_55 : memref<1x1x!tpu.dma_semaphore, #tpu.memory_space<semaphore_mem>> -> memref<!tpu.dma_semaphore, #tpu.memory_space<semaphore_mem>>
        %dma_start3A_57 = arith.constant 0 : i32
        %dma_start3A_58 = arith.constant 0 : i32
        %dma_start3A_59 = tpu.memref_slice %arg11[%dma_start3A_52, %dma_start3A_57, %dma_start3A_58] : memref<2x2048x2048xf32, #tpu.memory_space<vmem>> -> memref<1x1024x2048xf32, #tpu.memory_space<vmem>>
        %dma_start3A_60 = tpu.memref_squeeze %dma_start3A_59 : memref<1x1024x2048xf32, #tpu.memory_space<vmem>> -> memref<1024x2048xf32, #tpu.memory_space<vmem>>
        %dma_start3A_61 = arith.constant 0 : i32
        %dma_start3A_62 = arith.constant 0 : i32
        %dma_start3A_63 = tpu.memref_slice %arg4[%get3A_7, %dma_start3A_61, %dma_start3A_62] : memref<8x2048x2048xf32, #tpu.memory_space<any>> -> memref<1x1024x2048xf32, #tpu.memory_space<any>>
        %dma_start3A_64 = tpu.memref_squeeze %dma_start3A_63 : memref<1x1024x2048xf32, #tpu.memory_space<any>> -> memref<1024x2048xf32, #tpu.memory_space<any>>
        tpu.enqueue_dma source(%dma_start3A_64 : memref<1024x2048xf32, #tpu.memory_space<any>>) target(%dma_start3A_60 : memref<1024x2048xf32, #tpu.memory_space<vmem>>) target_semaphore(%dma_start3A_56 : memref<!tpu.dma_semaphore, #tpu.memory_space<semaphore_mem>>)
        %dma_start3A_65 = arith.constant 0 : i32
        %dma_start3A_66 = arith.constant 0 : i32
        %dma_start3A_67 = arith.constant 2 : i32
        %dma_start3A_68 = tpu.memref_slice %arg12[%dma_start3A_66, %dma_start3A_67] : memref<2x3x!tpu.dma_semaphore, #tpu.memory_space<semaphore_mem>> -> memref<1x1x!tpu.dma_semaphore, #tpu.memory_space<semaphore_mem>>
        %dma_start3A_69 = tpu.memref_squeeze %dma_start3A_68 : memref<1x1x!tpu.dma_semaphore, #tpu.memory_space<semaphore_mem>> -> memref<!tpu.dma_semaphore, #tpu.memory_space<semaphore_mem>>
        %dma_start3A_70 = arith.constant 1024 : i32
        %dma_start3A_71 = arith.constant 0 : i32
        %dma_start3A_72 = tpu.memref_slice %arg11[%dma_start3A_65, %dma_start3A_70, %dma_start3A_71] : memref<2x2048x2048xf32, #tpu.memory_space<vmem>> -> memref<1x1024x2048xf32, #tpu.memory_space<vmem>>
        %dma_start3A_73 = tpu.memref_squeeze %dma_start3A_72 : memref<1x1024x2048xf32, #tpu.memory_space<vmem>> -> memref<1024x2048xf32, #tpu.memory_space<vmem>>
        %dma_start3A_74 = arith.constant 1024 : i32
        %dma_start3A_75 = arith.constant 0 : i32
        %dma_start3A_76 = tpu.memref_slice %arg4[%get3A_7, %dma_start3A_74, %dma_start3A_75] : memref<8x2048x2048xf32, #tpu.memory_space<any>> -> memref<1x1024x2048xf32, #tpu.memory_space<any>>
        %dma_start3A_77 = tpu.memref_squeeze %dma_start3A_76 : memref<1x1024x2048xf32, #tpu.memory_space<any>> -> memref<1024x2048xf32, #tpu.memory_space<any>>
        tpu.enqueue_dma source(%dma_start3A_77 : memref<1024x2048xf32, #tpu.memory_space<any>>) target(%dma_start3A_73 : memref<1024x2048xf32, #tpu.memory_space<vmem>>) target_semaphore(%dma_start3A_69 : memref<!tpu.dma_semaphore, #tpu.memory_space<semaphore_mem>>)
      } else {
      }
    } else {
    }
    %eq3A_22 = arith.constant 1 : i32
    %eq3A_23 = arith.cmpi eq, %get3A_4, %eq3A_22 : i32
    %convert_element_type3A_24 = arith.extui %eq3A_23 : i1 to i32
    %cond3A_25 = arith.constant 0 : i32
    %cond3A_26 = arith.cmpi ne, %convert_element_type3A_24, %cond3A_25 : i32
    scf.if %cond3A_26 {
      %eq3A_30 = arith.constant 0 : i32
      %eq3A_31 = arith.cmpi eq, %get3A_10, %eq3A_30 : i32
      %convert_element_type3A_32 = arith.extui %eq3A_31 : i1 to i32
      %cond3A_33 = arith.constant 0 : i32
      %cond3A_34 = arith.cmpi ne, %convert_element_type3A_32, %cond3A_33 : i32
      scf.if %cond3A_34 {
        %dma_wait3A = arith.constant 0 : i32
        %dma_wait3A_40 = arith.constant 0 : i32
        %dma_wait3A_41 = arith.constant 0 : i32
        %dma_wait3A_42 = tpu.memref_slice %arg12[%dma_wait3A_40, %dma_wait3A_41] : memref<2x3x!tpu.dma_semaphore, #tpu.memory_space<semaphore_mem>> -> memref<1x1x!tpu.dma_semaphore, #tpu.memory_space<semaphore_mem>>
        %dma_wait3A_43 = tpu.memref_squeeze %dma_wait3A_42 : memref<1x1x!tpu.dma_semaphore, #tpu.memory_space<semaphore_mem>> -> memref<!tpu.dma_semaphore, #tpu.memory_space<semaphore_mem>>
        %dma_wait3A_44 = arith.constant 0 : i32
        %dma_wait3A_45 = arith.constant 0 : i32
        %dma_wait3A_46 = tpu.memref_slice %arg10[%dma_wait3A, %dma_wait3A_44, %dma_wait3A_45] : memref<2x1024x2048xf32, #tpu.memory_space<vmem>> -> memref<1x1024x2048xf32, #tpu.memory_space<vmem>>
        %dma_wait3A_47 = tpu.memref_squeeze %dma_wait3A_46 : memref<1x1024x2048xf32, #tpu.memory_space<vmem>> -> memref<1024x2048xf32, #tpu.memory_space<vmem>>
        %dma_wait3A_48 = arith.constant 0 : i32
        %dma_wait3A_49 = arith.constant 0 : i32
        %dma_wait3A_50 = tpu.memref_slice %arg3[%get3A_1, %dma_wait3A_48, %dma_wait3A_49] : memref<8x1024x2048xf32, #tpu.memory_space<any>> -> memref<1x1024x2048xf32, #tpu.memory_space<any>>
        %dma_wait3A_51 = tpu.memref_squeeze %dma_wait3A_50 : memref<1x1024x2048xf32, #tpu.memory_space<any>> -> memref<1024x2048xf32, #tpu.memory_space<any>>
        tpu.wait_dma2 semaphore(%dma_wait3A_43 : memref<!tpu.dma_semaphore, #tpu.memory_space<semaphore_mem>>) src(%dma_wait3A_51 : memref<1024x2048xf32, #tpu.memory_space<any>>) dst(%dma_wait3A_47 : memref<1024x2048xf32, #tpu.memory_space<vmem>>)
        %dma_wait3A_52 = arith.constant 0 : i32
        %dma_wait3A_53 = arith.constant 0 : i32
        %dma_wait3A_54 = arith.constant 1 : i32
        %dma_wait3A_55 = tpu.memref_slice %arg12[%dma_wait3A_53, %dma_wait3A_54] : memref<2x3x!tpu.dma_semaphore, #tpu.memory_space<semaphore_mem>> -> memref<1x1x!tpu.dma_semaphore, #tpu.memory_space<semaphore_mem>>
        %dma_wait3A_56 = tpu.memref_squeeze %dma_wait3A_55 : memref<1x1x!tpu.dma_semaphore, #tpu.memory_space<semaphore_mem>> -> memref<!tpu.dma_semaphore, #tpu.memory_space<semaphore_mem>>
        %dma_wait3A_57 = arith.constant 0 : i32
        %dma_wait3A_58 = arith.constant 0 : i32
        %dma_wait3A_59 = tpu.memref_slice %arg11[%dma_wait3A_52, %dma_wait3A_57, %dma_wait3A_58] : memref<2x2048x2048xf32, #tpu.memory_space<vmem>> -> memref<1x1024x2048xf32, #tpu.memory_space<vmem>>
        %dma_wait3A_60 = tpu.memref_squeeze %dma_wait3A_59 : memref<1x1024x2048xf32, #tpu.memory_space<vmem>> -> memref<1024x2048xf32, #tpu.memory_space<vmem>>
        %dma_wait3A_61 = arith.constant 0 : i32
        %dma_wait3A_62 = arith.constant 0 : i32
        %dma_wait3A_63 = tpu.memref_slice %arg4[%get3A_1, %dma_wait3A_61, %dma_wait3A_62] : memref<8x2048x2048xf32, #tpu.memory_space<any>> -> memref<1x1024x2048xf32, #tpu.memory_space<any>>
        %dma_wait3A_64 = tpu.memref_squeeze %dma_wait3A_63 : memref<1x1024x2048xf32, #tpu.memory_space<any>> -> memref<1024x2048xf32, #tpu.memory_space<any>>
        tpu.wait_dma2 semaphore(%dma_wait3A_56 : memref<!tpu.dma_semaphore, #tpu.memory_space<semaphore_mem>>) src(%dma_wait3A_64 : memref<1024x2048xf32, #tpu.memory_space<any>>) dst(%dma_wait3A_60 : memref<1024x2048xf32, #tpu.memory_space<vmem>>)
        %dma_wait3A_65 = arith.constant 0 : i32
        %dma_wait3A_66 = arith.constant 0 : i32
        %dma_wait3A_67 = arith.constant 2 : i32
        %dma_wait3A_68 = tpu.memref_slice %arg12[%dma_wait3A_66, %dma_wait3A_67] : memref<2x3x!tpu.dma_semaphore, #tpu.memory_space<semaphore_mem>> -> memref<1x1x!tpu.dma_semaphore, #tpu.memory_space<semaphore_mem>>
        %dma_wait3A_69 = tpu.memref_squeeze %dma_wait3A_68 : memref<1x1x!tpu.dma_semaphore, #tpu.memory_space<semaphore_mem>> -> memref<!tpu.dma_semaphore, #tpu.memory_space<semaphore_mem>>
        %dma_wait3A_70 = arith.constant 1024 : i32
        %dma_wait3A_71 = arith.constant 0 : i32
        %dma_wait3A_72 = tpu.memref_slice %arg11[%dma_wait3A_65, %dma_wait3A_70, %dma_wait3A_71] : memref<2x2048x2048xf32, #tpu.memory_space<vmem>> -> memref<1x1024x2048xf32, #tpu.memory_space<vmem>>
        %dma_wait3A_73 = tpu.memref_squeeze %dma_wait3A_72 : memref<1x1024x2048xf32, #tpu.memory_space<vmem>> -> memref<1024x2048xf32, #tpu.memory_space<vmem>>
        %dma_wait3A_74 = arith.constant 1024 : i32
        %dma_wait3A_75 = arith.constant 0 : i32
        %dma_wait3A_76 = tpu.memref_slice %arg4[%get3A_1, %dma_wait3A_74, %dma_wait3A_75] : memref<8x2048x2048xf32, #tpu.memory_space<any>> -> memref<1x1024x2048xf32, #tpu.memory_space<any>>
        %dma_wait3A_77 = tpu.memref_squeeze %dma_wait3A_76 : memref<1x1024x2048xf32, #tpu.memory_space<any>> -> memref<1024x2048xf32, #tpu.memory_space<any>>
        tpu.wait_dma2 semaphore(%dma_wait3A_69 : memref<!tpu.dma_semaphore, #tpu.memory_space<semaphore_mem>>) src(%dma_wait3A_77 : memref<1024x2048xf32, #tpu.memory_space<any>>) dst(%dma_wait3A_73 : memref<1024x2048xf32, #tpu.memory_space<vmem>>)
      } else {
      }
      %eq3A_35 = arith.constant 1 : i32
      %eq3A_36 = arith.cmpi eq, %get3A_10, %eq3A_35 : i32
      %convert_element_type3A_37 = arith.extui %eq3A_36 : i1 to i32
      %cond3A_38 = arith.constant 0 : i32
      %cond3A_39 = arith.cmpi ne, %convert_element_type3A_37, %cond3A_38 : i32
      scf.if %cond3A_39 {
        %dma_wait3A = arith.constant 1 : i32
        %dma_wait3A_40 = arith.constant 1 : i32
        %dma_wait3A_41 = arith.constant 0 : i32
        %dma_wait3A_42 = tpu.memref_slice %arg12[%dma_wait3A_40, %dma_wait3A_41] : memref<2x3x!tpu.dma_semaphore, #tpu.memory_space<semaphore_mem>> -> memref<1x1x!tpu.dma_semaphore, #tpu.memory_space<semaphore_mem>>
        %dma_wait3A_43 = tpu.memref_squeeze %dma_wait3A_42 : memref<1x1x!tpu.dma_semaphore, #tpu.memory_space<semaphore_mem>> -> memref<!tpu.dma_semaphore, #tpu.memory_space<semaphore_mem>>
        %dma_wait3A_44 = arith.constant 0 : i32
        %dma_wait3A_45 = arith.constant 0 : i32
        %dma_wait3A_46 = tpu.memref_slice %arg10[%dma_wait3A, %dma_wait3A_44, %dma_wait3A_45] : memref<2x1024x2048xf32, #tpu.memory_space<vmem>> -> memref<1x1024x2048xf32, #tpu.memory_space<vmem>>
        %dma_wait3A_47 = tpu.memref_squeeze %dma_wait3A_46 : memref<1x1024x2048xf32, #tpu.memory_space<vmem>> -> memref<1024x2048xf32, #tpu.memory_space<vmem>>
        %dma_wait3A_48 = arith.constant 0 : i32
        %dma_wait3A_49 = arith.constant 0 : i32
        %dma_wait3A_50 = tpu.memref_slice %arg3[%get3A_1, %dma_wait3A_48, %dma_wait3A_49] : memref<8x1024x2048xf32, #tpu.memory_space<any>> -> memref<1x1024x2048xf32, #tpu.memory_space<any>>
        %dma_wait3A_51 = tpu.memref_squeeze %dma_wait3A_50 : memref<1x1024x2048xf32, #tpu.memory_space<any>> -> memref<1024x2048xf32, #tpu.memory_space<any>>
        tpu.wait_dma2 semaphore(%dma_wait3A_43 : memref<!tpu.dma_semaphore, #tpu.memory_space<semaphore_mem>>) src(%dma_wait3A_51 : memref<1024x2048xf32, #tpu.memory_space<any>>) dst(%dma_wait3A_47 : memref<1024x2048xf32, #tpu.memory_space<vmem>>)
        %dma_wait3A_52 = arith.constant 1 : i32
        %dma_wait3A_53 = arith.constant 1 : i32
        %dma_wait3A_54 = arith.constant 1 : i32
        %dma_wait3A_55 = tpu.memref_slice %arg12[%dma_wait3A_53, %dma_wait3A_54] : memref<2x3x!tpu.dma_semaphore, #tpu.memory_space<semaphore_mem>> -> memref<1x1x!tpu.dma_semaphore, #tpu.memory_space<semaphore_mem>>
        %dma_wait3A_56 = tpu.memref_squeeze %dma_wait3A_55 : memref<1x1x!tpu.dma_semaphore, #tpu.memory_space<semaphore_mem>> -> memref<!tpu.dma_semaphore, #tpu.memory_space<semaphore_mem>>
        %dma_wait3A_57 = arith.constant 0 : i32
        %dma_wait3A_58 = arith.constant 0 : i32
        %dma_wait3A_59 = tpu.memref_slice %arg11[%dma_wait3A_52, %dma_wait3A_57, %dma_wait3A_58] : memref<2x2048x2048xf32, #tpu.memory_space<vmem>> -> memref<1x1024x2048xf32, #tpu.memory_space<vmem>>
        %dma_wait3A_60 = tpu.memref_squeeze %dma_wait3A_59 : memref<1x1024x2048xf32, #tpu.memory_space<vmem>> -> memref<1024x2048xf32, #tpu.memory_space<vmem>>
        %dma_wait3A_61 = arith.constant 0 : i32
        %dma_wait3A_62 = arith.constant 0 : i32
        %dma_wait3A_63 = tpu.memref_slice %arg4[%get3A_1, %dma_wait3A_61, %dma_wait3A_62] : memref<8x2048x2048xf32, #tpu.memory_space<any>> -> memref<1x1024x2048xf32, #tpu.memory_space<any>>
        %dma_wait3A_64 = tpu.memref_squeeze %dma_wait3A_63 : memref<1x1024x2048xf32, #tpu.memory_space<any>> -> memref<1024x2048xf32, #tpu.memory_space<any>>
        tpu.wait_dma2 semaphore(%dma_wait3A_56 : memref<!tpu.dma_semaphore, #tpu.memory_space<semaphore_mem>>) src(%dma_wait3A_64 : memref<1024x2048xf32, #tpu.memory_space<any>>) dst(%dma_wait3A_60 : memref<1024x2048xf32, #tpu.memory_space<vmem>>)
        %dma_wait3A_65 = arith.constant 1 : i32
        %dma_wait3A_66 = arith.constant 1 : i32
        %dma_wait3A_67 = arith.constant 2 : i32
        %dma_wait3A_68 = tpu.memref_slice %arg12[%dma_wait3A_66, %dma_wait3A_67] : memref<2x3x!tpu.dma_semaphore, #tpu.memory_space<semaphore_mem>> -> memref<1x1x!tpu.dma_semaphore, #tpu.memory_space<semaphore_mem>>
        %dma_wait3A_69 = tpu.memref_squeeze %dma_wait3A_68 : memref<1x1x!tpu.dma_semaphore, #tpu.memory_space<semaphore_mem>> -> memref<!tpu.dma_semaphore, #tpu.memory_space<semaphore_mem>>
        %dma_wait3A_70 = arith.constant 1024 : i32
        %dma_wait3A_71 = arith.constant 0 : i32
        %dma_wait3A_72 = tpu.memref_slice %arg11[%dma_wait3A_65, %dma_wait3A_70, %dma_wait3A_71] : memref<2x2048x2048xf32, #tpu.memory_space<vmem>> -> memref<1x1024x2048xf32, #tpu.memory_space<vmem>>
        %dma_wait3A_73 = tpu.memref_squeeze %dma_wait3A_72 : memref<1x1024x2048xf32, #tpu.memory_space<vmem>> -> memref<1024x2048xf32, #tpu.memory_space<vmem>>
        %dma_wait3A_74 = arith.constant 1024 : i32
        %dma_wait3A_75 = arith.constant 0 : i32
        %dma_wait3A_76 = tpu.memref_slice %arg4[%get3A_1, %dma_wait3A_74, %dma_wait3A_75] : memref<8x2048x2048xf32, #tpu.memory_space<any>> -> memref<1x1024x2048xf32, #tpu.memory_space<any>>
        %dma_wait3A_77 = tpu.memref_squeeze %dma_wait3A_76 : memref<1x1024x2048xf32, #tpu.memory_space<any>> -> memref<1024x2048xf32, #tpu.memory_space<any>>
        tpu.wait_dma2 semaphore(%dma_wait3A_69 : memref<!tpu.dma_semaphore, #tpu.memory_space<semaphore_mem>>) src(%dma_wait3A_77 : memref<1024x2048xf32, #tpu.memory_space<any>>) dst(%dma_wait3A_73 : memref<1024x2048xf32, #tpu.memory_space<vmem>>)
      } else {
      }
    } else {
    }
    %lt3A = arith.cmpi slt, %arg0, %get3A_13 : i32
    %convert_element_type3A_27 = arith.extui %lt3A : i1 to i32
    %cond3A_28 = arith.constant 0 : i32
    %cond3A_29 = arith.cmpi ne, %convert_element_type3A_27, %cond3A_28 : i32
    scf.if %cond3A_29 {
      %eq3A_30 = arith.constant 0 : i32
      %eq3A_31 = arith.cmpi eq, %get3A_10, %eq3A_30 : i32
      %convert_element_type3A_32 = arith.extui %eq3A_31 : i1 to i32
      %cond3A_33 = arith.constant 0 : i32
      %cond3A_34 = arith.cmpi ne, %convert_element_type3A_32, %cond3A_33 : i32
      scf.if %cond3A_34 {
        %get3A_40 = arith.constant 0 : index
        %get3A_41 = arith.constant 0 : index
        %get3A_42 = vector.load %arg2[%get3A_40, %get3A_41] : memref<256x1024xf32, #tpu.memory_space<vmem>>, vector<256x1024xf32>
        %get3A_43 = arith.constant 0 : index
        %get3A_44 = arith.constant 0 : index
        %get3A_45 = arith.constant 0 : index
        %get3A_46 = vector.load %arg10[%get3A_43, %get3A_44, %get3A_45] : memref<2x1024x2048xf32, #tpu.memory_space<vmem>>, vector<1x1024x2048xf32>
        %get3A_47 = vector.shape_cast %get3A_46 : vector<1x1024x2048xf32> to vector<1024x2048xf32>
        %dot_general3A = arith.constant dense<0.000000e+00> : vector<256x2048xf32>
        %dot_general3A_48 = tpu.matmul %get3A_42, %get3A_47, %dot_general3A {dimension_numbers = #tpu.dot_dimension_numbers<[1], [0], [0], [1], [0, 0, 1, 1], [], []>, transpose_lhs_hint = false} : vector<256x1024xf32>, vector<1024x2048xf32>, vector<256x2048xf32> -> vector<256x2048xf32>
        %get3A_49 = arith.constant 0 : index
        %get3A_50 = arith.constant 0 : index
        %get3A_51 = arith.constant 0 : index
        %get3A_52 = vector.load %arg5[%get3A_49, %get3A_50, %get3A_51] : memref<1x1x2048xf32, #tpu.memory_space<vmem>>, vector<1x1x2048xf32>
        %get3A_53 = vector.shape_cast %get3A_52 : vector<1x1x2048xf32> to vector<1x2048xf32>
        %add3A = vector.broadcast %get3A_53 : vector<1x2048xf32> to vector<256x2048xf32>
        %add3A_54 = arith.addf %dot_general3A_48, %add3A : vector<256x2048xf32>
        %gt3A = arith.constant 0.000000e+00 : f32
        %gt3A_55 = vector.broadcast %gt3A : f32 to vector<256x2048xf32>
        %gt3A_56 = arith.cmpf ogt, %add3A_54, %gt3A_55 : vector<256x2048xf32>
        %exp3A = math.exp %add3A_54 : vector<256x2048xf32>
        %sub3A = arith.constant 1.000000e+00 : f32
        %sub3A_57 = vector.broadcast %sub3A : f32 to vector<256x2048xf32>
        %sub3A_58 = arith.subf %exp3A, %sub3A_57 : vector<256x2048xf32>
        %select_n3A = arith.select %gt3A_56, %add3A_54, %sub3A_58 : vector<256x2048xi1>, vector<256x2048xf32>
        %get3A_59 = arith.constant 0 : index
        %get3A_60 = arith.constant 0 : index
        %get3A_61 = arith.constant 0 : index
        %get3A_62 = vector.load %arg11[%get3A_59, %get3A_60, %get3A_61] : memref<2x2048x2048xf32, #tpu.memory_space<vmem>>, vector<1x2048x2048xf32>
        %get3A_63 = vector.shape_cast %get3A_62 : vector<1x2048x2048xf32> to vector<2048x2048xf32>
        %dot_general3A_64 = arith.constant dense<0.000000e+00> : vector<256x2048xf32>
        %dot_general3A_65 = tpu.matmul %select_n3A, %get3A_63, %dot_general3A_64 {dimension_numbers = #tpu.dot_dimension_numbers<[1], [0], [0], [1], [0, 0, 1, 1], [], []>, transpose_lhs_hint = false} : vector<256x2048xf32>, vector<2048x2048xf32>, vector<256x2048xf32> -> vector<256x2048xf32>
        %get3A_66 = arith.constant 0 : index
        %get3A_67 = arith.constant 0 : index
        %get3A_68 = arith.constant 0 : index
        %get3A_69 = vector.load %arg6[%get3A_66, %get3A_67, %get3A_68] : memref<1x1x2048xf32, #tpu.memory_space<vmem>>, vector<1x1x2048xf32>
        %get3A_70 = vector.shape_cast %get3A_69 : vector<1x1x2048xf32> to vector<1x2048xf32>
        %add3A_71 = vector.broadcast %get3A_70 : vector<1x2048xf32> to vector<256x2048xf32>
        %add3A_72 = arith.addf %dot_general3A_65, %add3A_71 : vector<256x2048xf32>
        %gt3A_73 = arith.constant 0.000000e+00 : f32
        %gt3A_74 = vector.broadcast %gt3A_73 : f32 to vector<256x2048xf32>
        %gt3A_75 = arith.cmpf ogt, %add3A_72, %gt3A_74 : vector<256x2048xf32>
        %exp3A_76 = math.exp %add3A_72 : vector<256x2048xf32>
        %sub3A_77 = arith.constant 1.000000e+00 : f32
        %sub3A_78 = vector.broadcast %sub3A_77 : f32 to vector<256x2048xf32>
        %sub3A_79 = arith.subf %exp3A_76, %sub3A_78 : vector<256x2048xf32>
        %select_n3A_80 = arith.select %gt3A_75, %add3A_72, %sub3A_79 : vector<256x2048xi1>, vector<256x2048xf32>
        %get3A_81 = arith.constant 0 : index
        %get3A_82 = arith.constant 0 : index
        %get3A_83 = arith.constant 0 : index
        %get3A_84 = vector.load %arg7[%get3A_81, %get3A_82, %get3A_83] : memref<1x1x2048xf32, #tpu.memory_space<vmem>>, vector<1x1x2048xf32>
        %get3A_85 = vector.shape_cast %get3A_84 : vector<1x1x2048xf32> to vector<1x2048xf32>
        %mul3A = vector.broadcast %get3A_85 : vector<1x2048xf32> to vector<256x2048xf32>
        %mul3A_86 = arith.mulf %select_n3A_80, %mul3A : vector<256x2048xf32>
        %reduce_sum3A = arith.constant dense<0.000000e+00> : vector<256xf32>
        %reduce_sum3A_87 = vector.multi_reduction <add>, %mul3A_86, %reduce_sum3A [1] : vector<256x2048xf32> to vector<256xf32>
        %get3A_88 = arith.index_cast %get3A_1 : i32 to index
        %get3A_89 = memref.load %arg8[%get3A_88] : memref<8xf32, #tpu.memory_space<smem>>
        %add3A_90 = vector.broadcast %get3A_89 : f32 to vector<256xf32>
        %add3A_91 = arith.addf %reduce_sum3A_87, %add3A_90 : vector<256xf32>
        %swap3A = arith.constant 0 : index
        %swap3A_92 = arith.constant 0 : index
        %swap3A_93 = arith.constant 0 : index
        %swap3A_94 = vector.load %arg9[%swap3A, %swap3A_92, %swap3A_93] : memref<1x1x256xf32, #tpu.memory_space<vmem>>, vector<1x1x256xf32>
        %swap3A_95 = vector.shape_cast %swap3A_94 : vector<1x1x256xf32> to vector<256xf32>
        %swap3A_96 = vector.shape_cast %add3A_91 : vector<256xf32> to vector<1x1x256xf32>
        tpu.vector_store %arg9[%swap3A, %swap3A_92, %swap3A_93], %swap3A_96 {strides = array<i32>} : memref<1x1x256xf32, #tpu.memory_space<vmem>>, vector<1x1x256xf32>,
      } else {
      }
      %eq3A_35 = arith.constant 1 : i32
      %eq3A_36 = arith.cmpi eq, %get3A_10, %eq3A_35 : i32
      %convert_element_type3A_37 = arith.extui %eq3A_36 : i1 to i32
      %cond3A_38 = arith.constant 0 : i32
      %cond3A_39 = arith.cmpi ne, %convert_element_type3A_37, %cond3A_38 : i32
      scf.if %cond3A_39 {
        %get3A_40 = arith.constant 0 : index
        %get3A_41 = arith.constant 0 : index
        %get3A_42 = vector.load %arg2[%get3A_40, %get3A_41] : memref<256x1024xf32, #tpu.memory_space<vmem>>, vector<256x1024xf32>
        %get3A_43 = arith.constant 1 : index
        %get3A_44 = arith.constant 0 : index
        %get3A_45 = arith.constant 0 : index
        %get3A_46 = vector.load %arg10[%get3A_43, %get3A_44, %get3A_45] : memref<2x1024x2048xf32, #tpu.memory_space<vmem>>, vector<1x1024x2048xf32>
        %get3A_47 = vector.shape_cast %get3A_46 : vector<1x1024x2048xf32> to vector<1024x2048xf32>
        %dot_general3A = arith.constant dense<0.000000e+00> : vector<256x2048xf32>
        %dot_general3A_48 = tpu.matmul %get3A_42, %get3A_47, %dot_general3A {dimension_numbers = #tpu.dot_dimension_numbers<[1], [0], [0], [1], [0, 0, 1, 1], [], []>, transpose_lhs_hint = false} : vector<256x1024xf32>, vector<1024x2048xf32>, vector<256x2048xf32> -> vector<256x2048xf32>
        %get3A_49 = arith.constant 0 : index
        %get3A_50 = arith.constant 0 : index
        %get3A_51 = arith.constant 0 : index
        %get3A_52 = vector.load %arg5[%get3A_49, %get3A_50, %get3A_51] : memref<1x1x2048xf32, #tpu.memory_space<vmem>>, vector<1x1x2048xf32>
        %get3A_53 = vector.shape_cast %get3A_52 : vector<1x1x2048xf32> to vector<1x2048xf32>
        %add3A = vector.broadcast %get3A_53 : vector<1x2048xf32> to vector<256x2048xf32>
        %add3A_54 = arith.addf %dot_general3A_48, %add3A : vector<256x2048xf32>
        %gt3A = arith.constant 0.000000e+00 : f32
        %gt3A_55 = vector.broadcast %gt3A : f32 to vector<256x2048xf32>
        %gt3A_56 = arith.cmpf ogt, %add3A_54, %gt3A_55 : vector<256x2048xf32>
        %exp3A = math.exp %add3A_54 : vector<256x2048xf32>
        %sub3A = arith.constant 1.000000e+00 : f32
        %sub3A_57 = vector.broadcast %sub3A : f32 to vector<256x2048xf32>
        %sub3A_58 = arith.subf %exp3A, %sub3A_57 : vector<256x2048xf32>
        %select_n3A = arith.select %gt3A_56, %add3A_54, %sub3A_58 : vector<256x2048xi1>, vector<256x2048xf32>
        %get3A_59 = arith.constant 1 : index
        %get3A_60 = arith.constant 0 : index
        %get3A_61 = arith.constant 0 : index
        %get3A_62 = vector.load %arg11[%get3A_59, %get3A_60, %get3A_61] : memref<2x2048x2048xf32, #tpu.memory_space<vmem>>, vector<1x2048x2048xf32>
        %get3A_63 = vector.shape_cast %get3A_62 : vector<1x2048x2048xf32> to vector<2048x2048xf32>
        %dot_general3A_64 = arith.constant dense<0.000000e+00> : vector<256x2048xf32>
        %dot_general3A_65 = tpu.matmul %select_n3A, %get3A_63, %dot_general3A_64 {dimension_numbers = #tpu.dot_dimension_numbers<[1], [0], [0], [1], [0, 0, 1, 1], [], []>, transpose_lhs_hint = false} : vector<256x2048xf32>, vector<2048x2048xf32>, vector<256x2048xf32> -> vector<256x2048xf32>
        %get3A_66 = arith.constant 0 : index
        %get3A_67 = arith.constant 0 : index
        %get3A_68 = arith.constant 0 : index
        %get3A_69 = vector.load %arg6[%get3A_66, %get3A_67, %get3A_68] : memref<1x1x2048xf32, #tpu.memory_space<vmem>>, vector<1x1x2048xf32>
        %get3A_70 = vector.shape_cast %get3A_69 : vector<1x1x2048xf32> to vector<1x2048xf32>
        %add3A_71 = vector.broadcast %get3A_70 : vector<1x2048xf32> to vector<256x2048xf32>
        %add3A_72 = arith.addf %dot_general3A_65, %add3A_71 : vector<256x2048xf32>
        %gt3A_73 = arith.constant 0.000000e+00 : f32
        %gt3A_74 = vector.broadcast %gt3A_73 : f32 to vector<256x2048xf32>
        %gt3A_75 = arith.cmpf ogt, %add3A_72, %gt3A_74 : vector<256x2048xf32>
        %exp3A_76 = math.exp %add3A_72 : vector<256x2048xf32>
        %sub3A_77 = arith.constant 1.000000e+00 : f32
        %sub3A_78 = vector.broadcast %sub3A_77 : f32 to vector<256x2048xf32>
        %sub3A_79 = arith.subf %exp3A_76, %sub3A_78 : vector<256x2048xf32>
        %select_n3A_80 = arith.select %gt3A_75, %add3A_72, %sub3A_79 : vector<256x2048xi1>, vector<256x2048xf32>
        %get3A_81 = arith.constant 0 : index
        %get3A_82 = arith.constant 0 : index
        %get3A_83 = arith.constant 0 : index
        %get3A_84 = vector.load %arg7[%get3A_81, %get3A_82, %get3A_83] : memref<1x1x2048xf32, #tpu.memory_space<vmem>>, vector<1x1x2048xf32>
        %get3A_85 = vector.shape_cast %get3A_84 : vector<1x1x2048xf32> to vector<1x2048xf32>
        %mul3A = vector.broadcast %get3A_85 : vector<1x2048xf32> to vector<256x2048xf32>
        %mul3A_86 = arith.mulf %select_n3A_80, %mul3A : vector<256x2048xf32>
        %reduce_sum3A = arith.constant dense<0.000000e+00> : vector<256xf32>
        %reduce_sum3A_87 = vector.multi_reduction <add>, %mul3A_86, %reduce_sum3A [1] : vector<256x2048xf32> to vector<256xf32>
        %get3A_88 = arith.index_cast %get3A_1 : i32 to index
        %get3A_89 = memref.load %arg8[%get3A_88] : memref<8xf32, #tpu.memory_space<smem>>
        %add3A_90 = vector.broadcast %get3A_89 : f32 to vector<256xf32>
        %add3A_91 = arith.addf %reduce_sum3A_87, %add3A_90 : vector<256xf32>
        %swap3A = arith.constant 0 : index
        %swap3A_92 = arith.constant 0 : index
        %swap3A_93 = arith.constant 0 : index
        %swap3A_94 = vector.load %arg9[%swap3A, %swap3A_92, %swap3A_93] : memref<1x1x256xf32, #tpu.memory_space<vmem>>, vector<1x1x256xf32>
        %swap3A_95 = vector.shape_cast %swap3A_94 : vector<1x1x256xf32> to vector<256xf32>
        %swap3A_96 = vector.shape_cast %add3A_91 : vector<256xf32> to vector<1x1x256xf32>
        tpu.vector_store %arg9[%swap3A, %swap3A_92, %swap3A_93], %swap3A_96 {strides = array<i32>} : memref<1x1x256xf32, #tpu.memory_space<vmem>>, vector<1x1x256xf32>,
      } else {
      }
    } else {
    }
    return
  }
  func.func @transform_0(%arg0: i32, %arg1: memref<4x41xi32, #tpu.memory_space<smem>>) -> (i32, i32) {
    %c0_i32 = arith.constant 0 : i32
    %c0_i32_0 = arith.constant 0 : i32
    return %arg0, %c0_i32 : i32, i32
  }
  func.func @transform_3(%arg0: i32, %arg1: memref<4x41xi32, #tpu.memory_space<smem>>) -> (i32, i32, i32) {
    %get3A = arith.constant 0 : index
    %get3A_0 = arith.index_cast %arg0 : i32 to index
    %get3A_1 = memref.load %arg1[%get3A, %get3A_0] : memref<4x41xi32, #tpu.memory_space<smem>>
    %c0_i32 = arith.constant 0 : i32
    %c0_i32_2 = arith.constant 0 : i32
    %c0_i32_3 = arith.constant 0 : i32
    return %get3A_1, %c0_i32, %c0_i32_2 : i32, i32, i32
  }
  func.func @transform_4(%arg0: i32, %arg1: memref<4x41xi32, #tpu.memory_space<smem>>) -> (i32, i32, i32) {
    %get3A = arith.constant 0 : index
    %get3A_0 = arith.index_cast %arg0 : i32 to index
    %get3A_1 = memref.load %arg1[%get3A, %get3A_0] : memref<4x41xi32, #tpu.memory_space<smem>>
    %c0_i32 = arith.constant 0 : i32
    %c0_i32_2 = arith.constant 0 : i32
    %c0_i32_3 = arith.constant 0 : i32
    return %get3A_1, %c0_i32, %c0_i32_2 : i32, i32, i32
  }
  func.func @transform_5(%arg0: i32, %arg1: memref<4x41xi32, #tpu.memory_space<smem>>) -> (i32, i32, i32) {
    %get3A = arith.constant 0 : index
    %get3A_0 = arith.index_cast %arg0 : i32 to index
    %get3A_1 = memref.load %arg1[%get3A, %get3A_0] : memref<4x41xi32, #tpu.memory_space<smem>>
    %c0_i32 = arith.constant 0 : i32
    %c0_i32_2 = arith.constant 0 : i32
    %c0_i32_3 = arith.constant 0 : i32
    return %get3A_1, %c0_i32, %c0_i32_2 : i32, i32, i32
  }
  func.func @transform_6(%arg0: i32, %arg1: memref<4x41xi32, #tpu.memory_space<smem>>) -> i32 {
    %c0_i32 = arith.constant 0 : i32
    %c0_i32_0 = arith.constant 0 : i32
    return %c0_i32 : i32
  }
  func.func @transform_7(%arg0: i32, %arg1: memref<4x41xi32, #tpu.memory_space<smem>>) -> (i32, i32, i32) {
    %c0_i32 = arith.constant 0 : i32
    %c0_i32_0 = arith.constant 0 : i32
    %c0_i32_1 = arith.constant 0 : i32
    return %arg0, %c0_i32, %c0_i32_0 : i32, i32, i32
  }
}

</mosaic_0001>

<sc_bundles>
// kernel: kernel.5.cloned.1.call-start
scs
__scs_entry_jumppad:
0x0: {  	(pc) =	sbr.rel $0x88, $3  }
0x1: {  	(tag) =	ssettag $0x0;
	lr =	simm.s32 $0x1  }
0x2: {  	[smem:$0x3F99] =	sst lr;
	_ =	strace $0xD0000000  }
0x3: {  	_ = 	snop  }
0x4: {  	_ = 	snop  }
0x5: {  	_ = 	snop  }
0x6: {  	_ = 	snop  }
0x7: {  	_ = 	snop  }
__scs_overlays_trampoline_lowered:
0x8: {  	[smem:$0x3FA8] =	sst s0  }
0x9: {  	[smem:$0x3FA9] =	sst s1  }
0xa: {  	[smem:$0x3FAA] =	sst s2  }
0xb: {  	[smem:$0x3FAB] =	sst s3  }
0xc: {  	[smem:$0x3FAC] =	sst s4  }
0xd: {  	[smem:$0x3FAD] =	sst s5  }
0xe: {  	[smem:$0x3FAE] =	sst s6  }
0xf: {  	[smem:$0x3FAF] =	sst s7  }
0x10: {  	[smem:$0x3FB0] =	sst s8  }
0x11: {  	[smem:$0x3FB1] =	sst s9;
	s0 =	simm.s32 @!p0 $0x0  }
0x12: {  	s1 =	sld [smem:$0x3F97];
	s0 =	simm.s32 @p0 $0x1  }
0x13: {  	[smem:$0x3FB2] =	sst s0;
	s0 =	simm.s32 @!p1 $0x0  }
0x14: {  	s2 =	sld [smem:$0x3F96];
	s0 =	simm.s32 @p1 $0x1  }
0x15: {  	[smem:$0x3FB3] =	sst s0;
	s0 =	simm.s32 @!p2 $0x0  }
0x16: {  	s3 =	sld [smem:$0x3FDB];
	s0 =	simm.s32 @p2 $0x1  }
0x17: {  	s4 =	simm.s32 $0x1BF5;
	[smem:$0x3FB5] =	sst s0  }
0x18: {  	s0 =	sld [smem:$0x3F98];
	_ =	swait.ge [sflag:s4], $0x0  }
0x19: {  	s7 =	sld [smem:$0x3F99]  }
0x1a: {  	s8 =	sadd.s32 $0xFFFFE003, lr  }
0x1b: {  	s9 =	sadd.s32 $0xFFFFFEF7, lr;
	s5 =	simm.s32 $0xFFFFFFFF;
	p2 =	slt.u32 s8, $0xFFFFF086  }
0x1c: {  	p1 =	slt.u32 s9, $0xF7A;
	s5 =	simm.s32 @!p2 $0x0  }
0x1d: {  	s5 =	simm.s32 @p1 $0x1;
	p0 =	seq.s32 s7, s2  }
0x1e: {  	s7 =	smul.u32 @!p0 $0xF7A, s2;
	p2 =	seq.s32 @!p0 s5, $0x0  }
0x1f: {  	s9 =	smul.u32 $0xF7A, s1;
	s8 =	simm.s32 @!p0 $0x1BF5;
	p2 =	por !p2, p0  }
0x20: {  	[sflag:s8] =	ssyncset.s32 @!p0 $0xFFFFF086;
	s6 =	sadd.s32 @!p0 s3, s7;
	s7 =	simm.s32 @!p0 $0x108  }
0x21: {  	s3 =	sadd.s32 s3, s9;
	s6 =	sadd.s32 @!p0 $0x88, s6;
	s7 =	simm.s32 @p2 $0x1082  }
0x22: {  	[simem:s7], [sflag:s8] =	dma.local @!p0 [hbm:s6], $0xF7A  }
0x23: {  	s9 =	sor.u32 $0xD0000000, s2;
	s6 =	simm.s32 $0x108;
	_ =	swait.ge @!p0 [sflag:s8], $0x0  }
0x24: {  	s3 =	sadd.s32 $0x88, s3;
	s6 =	simm.s32 @!p1 $0x1082;
	[sflag:s4] =	ssyncset.s32 $0xFFFFF086  }
0x25: {  	[simem:s6], [sflag:s4] =	dma.local [hbm:s3], $0xF7A  }
0x26: {  	[smem:$0x3F99] =	sst s1;
	(tag) =	ssettag s2;
	_ =	strace s9  }
0x27: {  	s1 =	sld [smem:$0x3FA9]  }
0x28: {  	s2 =	sld [smem:$0x3FAA]  }
0x29: {  	s4 =	sld [smem:$0x3FAC]  }
0x2a: {  	p0 =	seq.s32 s5, $0x0;
	s5 =	sld [smem:$0x3FAD]  }
0x2b: {  	s6 =	sld [smem:$0x3FAE]  }
0x2c: {  	s7 =	sld [smem:$0x3FAF]  }
0x2d: {  	s3 =	simm.s32 $0x108;
	s8 =	sld [smem:$0x3FB0]  }
0x2e: {  	s3 =	simm.s32 @!p0 $0x1082;
	s9 =	sld [smem:$0x3FB1]  }
0x2f: {  	lr =	sadd.s32 s0, s3;
	s0 =	sld [smem:$0x3FA8]  }
0x30: {  	s3 =	sld [smem:$0x3FAB]  }
0x31: {  	[smem:$0x3FB4] =	sst s10  }
0x32: {  	s10 =	sld [smem:$0x3FB2];
	_ =	sdelay $0x3  }
0x33: {  	p0 =	seq.s32 s10, $0x1;
	s10 =	sld [smem:$0x3FB4];
	_ =	sdelay $0x3  }
0x34: {  	[smem:$0x3FB4] =	sst s10  }
0x35: {  	s10 =	sld [smem:$0x3FB3];
	_ =	sdelay $0x3  }
0x36: {  	p1 =	seq.s32 s10, $0x1;
	s10 =	sld [smem:$0x3FB4];
	_ =	sdelay $0x3  }
0x37: {  	[smem:$0x3FB4] =	sst s10  }
0x38: {  	s10 =	sld [smem:$0x3FB5]  }
0x39: {  	_ = 	snop;
	(pc) =	sbr.ind lr, $3  }
0x3a: {  	_ = 	snop  }
0x3b: {  	_ = 	snop  }
0x3c: {  	p2 =	seq.s32 s10, $0x1;
	s10 =	sld [smem:$0x3FB4]  }
0x3d: {  	_ =	shalt  }
0x3e: {  	_ =	shalt  }
0x3f: {  	_ =	shalt  }
0x40: {  	_ =	shalt  }
0x41: {  	_ =	shalt  }
0x42: {  	_ =	shalt  }
0x43: {  	_ =	shalt  }
0x44: {  	_ =	shalt  }
0x45: {  	_ =	shalt  }
0x46: {  	_ =	shalt  }
0x47: {  	_ =	shalt  }
0x48: {  	_ =	shalt  }
0x49: {  	_ =	shalt  }
0x4a: {  	_ =	shalt  }
0x4b: {  	_ =	shalt  }
0x4c: {  	_ =	shalt  }
0x4d: {  	_ =	shalt  }
0x4e: {  	_ =	shalt  }
0x4f: {  	_ =	shalt  }
0x50: {  	_ =	shalt  }
0x51: {  	_ =	shalt  }
0x52: {  	_ =	shalt  }
0x53: {  	_ =	shalt  }
0x54: {  	_ =	shalt  }
0x55: {  	_ =	shalt  }
0x56: {  	_ =	shalt  }
0x57: {  	_ =	shalt  }
0x58: {  	_ =	shalt  }
0x59: {  	_ =	shalt  }
0x5a: {  	_ =	shalt  }
0x5b: {  	_ =	shalt  }
0x5c: {  	_ =	shalt  }
0x5d: {  	_ =	shalt  }
0x5e: {  	_ =	shalt  }
0x5f: {  	_ =	shalt  }
0x60: {  	_ =	shalt  }
0x61: {  	_ =	shalt  }
0x62: {  	_ =	shalt  }
0x63: {  	_ =	shalt  }
0x64: {  	_ =	shalt  }
0x65: {  	_ =	shalt  }
0x66: {  	_ =	shalt  }
0x67: {  	_ =	shalt  }
0x68: {  	_ =	shalt  }
0x69: {  	_ =	shalt  }
0x6a: {  	_ =	shalt  }
0x6b: {  	_ =	shalt  }
0x6c: {  	_ =	shalt  }
0x6d: {  	_ =	shalt  }
0x6e: {  	_ =	shalt  }
0x6f: {  	_ =	shalt  }
0x70: {  	_ =	shalt  }
0x71: {  	_ =	shalt  }
0x72: {  	_ =	shalt  }
0x73: {  	_ =	shalt  }
0x74: {  	_ =	shalt  }
0x75: {  	_ =	shalt  }
0x76: {  	_ =	shalt  }
0x77: {  	_ =	shalt  }
0x78: {  	_ =	shalt  }
0x79: {  	_ =	shalt  }
0x7a: {  	_ =	shalt  }
0x7b: {  	_ =	shalt  }
0x7c: {  	_ =	shalt  }
0x7d: {  	_ =	shalt  }
0x7e: {  	_ =	shalt  }
0x7f: {  	_ =	shalt  }
0x80: {  	_ =	shalt  }
0x81: {  	_ =	shalt  }
0x82: {  	_ =	shalt  }
0x83: {  	_ =	shalt  }
0x84: {  	_ =	shalt  }
0x85: {  	_ =	shalt  }
0x86: {  	_ =	shalt  }
0x87: {  	_ =	shalt  }
.Lfunc_end0:
.L_simem_size_0:
called_computation_lowered:
.L_overlay_start_0:
0x88: {  	s2 =	sld [smem:$0x3FD9]  }
0x89: {  	s3 =	sld [smem:$0x3FFE];
	_ =	sdelay $0x1  }
0x8a: {  	s1 =	srdreg.scid  }
0x8b: {  	s0 =	sand.u32 $0x1, s1  }
0x8c: {  	s17 =	sshll.u32 s0, $0xA;
	s2 =	sadd.s32 s3, s2  }
0x8d: {  	s2 =	sadd.s32 s2, s17  }
0x8e: {  	[smem:$0x3FC0] =	sst s2  }
0x8f: {  	_ = 	snop  }
0x90: {  	s2 =	sld [smem:$0x3FC8];
	(tm) =	ssettm $0x1  }
0x91: {  	s18 =	sld [smem:$0x3FFB];
	_ =	sdelay $0x3  }
0x92: {  	_ =	strace s18  }
0x93: {  	s3 =	sld [smem:$0x3FFC];
	_ =	sdelay $0x3  }
0x94: {  	_ =	strace s3  }
0x95: {  	s3 =	sld [smem:$0x3FFD];
	_ =	sdelay $0x3  }
0x96: {  	_ =	strace s3  }
0x97: {  	_ =	strace $0x8FFFFFFF  }
0x98: {  	s19 =	sld [smem:$0x3FDB];
	_ =	sdelay $0x1  }
0x99: {  	s4 =	simm.s32 $_scs_section_size  }
0x9a: {  	s5 =	simm.s32 $_size__tile_overlayer_lowered;
	s6 =	simm.s32 $_tile_overlayer_lowered  }
0x9b: {  	s22 =	simm.s32 $0x1BFF;
	s21 =	sshll.u32 s6, $0x1;
	s3 =	sadd.s32 s4, s19  }
0x9c: {  	s7 =	simm.s32 $0x0;
	s20 =	sshll.u32 s5, $0x1;
	s5 =	sadd.s32 s21, s3  }
0x9d: {  	[timem:s7], [sflag:s22] =	dma.local [hbm:s5], s20  }
0x9e: {  	_ =	swait.ge [sflag:s22], s20  }
0x9f: {  	s4 =	ssub.s32 $0x0, s20;
	[sflag:s22] =	ssyncset.done $0x0  }
0xa0: {  	[sflag:s22] =	ssyncadd.s32 s4;
	_ =	sdelay $0x1  }
0xa1: {  	s23 =	simm.s32 $0x1B8B  }
0xa2: {  	_ =	swait.ge [sflag:s23], $0x1  }
0xa3: {  	[sflag:s23] =	ssyncset.done $0x0  }
0xa4: {  	s25 =	simm.s32 $0x1B8E;
	s24 =	sld [smem:$0x3FFE];
	[sflag:s23] =	ssyncadd.s32 $0xFFFFFFFF  }
0xa5: {  	s26 =	simm.s32 $execute0_lowered;
	[smem:$0x3FD2] =	sst s25  }
0xa6: {  	s5 =	sshll.u32 s26, $0x1;
	_ =	strace $0x80000046;
	[dreg:$0x1] =	wrdreg $0xFFFFFFFF  }
0xa7: {  	s28 =	simm.s32 $_size_execute0_lowered;
	s3 =	sadd.s32 s3, s5;
	[dreg:$0x0] =	wrdreg $0x0  }
0xa8: {  	s5 =	sshll.u32 s28, $0x1;
	[dreg:$0x2] =	wrdreg s3  }
0xa9: {  	[dreg:$0x3] =	wrdreg s5  }
0xaa: {  	[dreg:$0x4] =	wrdreg $0xC0  }
0xab: {  	_ =	task [dreg:s7], $0x5FFFF  }
0xac: {  	[dreg:$0x1] =	wrdreg $0xFFFFFFFF  }
0xad: {  	[dreg:$0x0] =	wrdreg $0x60  }
0xae: {  	[dreg:$0x2] =	wrdreg s2  }
0xaf: {  	[dreg:$0x3] =	wrdreg s24  }
0xb0: {  	[dreg:$0x4] =	wrdreg $0x9  }
0xb1: {  	_ =	task.clear_ibuf [dreg:s7], $0x5FFFF;
	_ =	strace $0x90000046  }
0xb2: {  	s29 =	simm.s32 $0x9;
	_ =	strace $0x80000048  }
0xb3: {  	_ =	swait.ge [sflag:s29], $0x1  }
0xb4: {  	[sflag:s29] =	ssyncadd.s32 $0xFFFFFFFF  }
0xb5: {  	_ =	strace $0x90000048  }
0xb6: {  	_ =	sfence  }
0xb7: {  	s30 =	sld [smem:$0x0];
	_ =	sdelay $0x2  }
0xb8: {  	s31 =	sshll.u32 s1, $0xD;
	s1 =	sshrl.u32 s1, $0x2  }
0xb9: {  	s3 =	sand.u32 $0x4000, s31;
	s1 =	sadd.s32 s1, s30  }
0xba: {  	s0 =	sor.u32 s3, s0;
	s1 =	sshll.u32 s1, $0x11  }
0xbb: {  	s0 =	sor.u32 s1, s0  }
0xbc: {  	s0 =	sadd.s32 $0x8F2B, s0  }
0xbd: {  	[sflag:s0] =	ssyncadd.remote.s32 $0x1  }
0xbe: {  	_ =	sfence.sel $0xFFFF  }
0xbf: {  	[dreg:$0x0] =	wrdreg $0xFFFFFFFF;
	(pc) =	sbr.abs _section_cstart, $3  }
0xc0: {  	[dreg:$0x1] =	wrdreg $0xFFFFFFFF  }
0xc1: {  	_ =	task.clear_ibuf [dreg:s7], $0x2FFFF;
	_ =	strace $0x9FFFFFFF  }
0xc2: {  	(tm) =	ssettm $0x7FFFFFFF  }
0xc3: {  	_ =	shalt  }
tec
execute0_lowered:
.L_overlay_start_1:
0x0: {  	(tag) =	ssettag $0x1  }
0x1: {  	s0 =	srdreg.scid;
	s1 =	rddreg [dreg:$0x0]  }
0x2: {  	s2 =	stileid.u32;
	s3 =	rddreg [dreg:$0x1];
	s11 =	simm.s32 $0x1  }
0x3: {  	s29 =	simm.s32 $0x2;
	s0 =	sand.u32 $0x1, s0;
	s2 =	sshll.u32 s2, $0x1  }
0x4: {  	s30 =	simm.s32 $0x3;
	s10 =	simm.s32 $0x8400;
	s4 =	sor.u32 s0, s2  }
0x5: {  	s2 =	simm.s32 $0x0;
	s5 =	sshll.u32 s4, $0x7;
	s4 =	sshll.u32 s4, $0xF  }
0x6: {  	[smem:$0x7FF] =	sst s2;
	s5 =	sadd.s32 s5, s3;
	s8 =	sadd.s32 s1, s4  }
0x7: {  	_ =	strace $0x80000047;
	s5 =	sadd.s32 $0x400, s5;
	[dreg:$0xb] =	wrdreg s8  }
0x8: {  	s6 =	sadd.s32 $0x1600, s3;
	s1 =	sadd.s32 $0x1000, s8;
	[dreg:$0x3] =	wrdreg s5  }
0x9: {  	s7 =	sadd.s32 $0x1700, s3;
	s22 =	sadd.s32 $0x2000, s8;
	[dreg:$0x4] =	wrdreg s1  }
0xa: {  	s0 =	ssub.s32 $0x2, s0;
	s24 =	sadd.s32 $0x3000, s8;
	[dreg:$0x5] =	wrdreg s22  }
0xb: {  	s23 =	sshrl.u32 s0, $0x1;
	s25 =	sadd.s32 $0x4000, s8;
	[dreg:$0x6] =	wrdreg s24  }
0xc: {  	s4 =	sadd.s32 $0x1400, s3;
	s26 =	sadd.s32 $0x5000, s8;
	[dreg:$0x7] =	wrdreg s25  }
0xd: {  	v2 =	vlaneseq.u32;
	s0 =	ssub.s32 s0, s23;
	s28 =	sadd.s32 $0x6000, s8;
	[dreg:$0x8] =	wrdreg s26  }
0xe: {  	vm0 =	vmmov $0xffff;
	v1 =	vshrl.u32 v2, $0x3;
	s23 =	simm.s32 $0x4;
	s31 =	sadd.s32 $0x7000, s8;
	[dreg:$0x9] =	wrdreg s28  }
0xf: {  	v0 =	vand.u32 $0x7, v2;
	v2 =	vor.u32 $0x8, v2;
	v1 =	vmul.u32 $0x8, v1;
	s8 =	smax.u32 s0, $0x1;
	s5 =	sadd.s32 $0x1500, s3;
	[dreg:$0xa] =	wrdreg s31  }
.LBB2_1:
0x10: {  	s24 =	rddreg [dreg:$0x3];
	s16 =	simm.s32 $0x5  }
0x11: {  	[tilespmem:s2], [sflag:$0x5] =	stream.linear.gather [hbm4b:s24+s2], $0x400, $0x38;
	[tilespmem:$0x10400] =	vst v63  }
0x12: {  	_ =	swait.ge [sflag:s16], $0x400  }
0x13: {  	[sflag:s16] =	ssyncset.done $0x0  }
0x14: {  	s12 =	simm.s32 $0x400;
	s17 =	rddreg [dreg:$0xb];
	[sflag:s16] =	ssyncadd.s32 $0xFFFFFC00  }
0x15: {  	[tilespmem:s12], [sflag:$0x1] =	stream.linear.gather [hbm4b:s17+s2], $0x8000, $0x38;
	[tilespmem:$0x10400] =	vst v63  }
0x16: {  	_ =	swait.ge [sflag:s11], $0x8000  }
0x17: {  	[sflag:s11] =	ssyncset.done $0x0  }
0x18: {  	s18 =	rddreg [dreg:$0x4];
	[sflag:s11] =	ssyncadd.s32 $0xFFFF8000  }
0x19: {  	[tilespmem:s10], [sflag:$0x2] =	stream.linear.gather [hbm4b:s18+s2], $0x8000, $0x38;
	[tilespmem:$0x10400] =	vst v63  }
0x1a: {  	v3 =	vld [tilespmem:$0x0];
	_ =	sdelay $0x4  }
0x1b: {  	v4 =	vshll.u32 v3, $0x3  }
0x1c: {  	v3 =	vand.u32 $0x7, v3;
	v4 =	vand.u32 $0xFFFFFFC0, v4  }
0x1d: {  	v3 =	vor.u32 v3, v4  }
0x1e: {  	v4 =	vperm.xlane v3, v0;
	_ =	sdelay $0x1  }
0x1f: {  	v4 =	vadd.s32 v1, v4;
	_ =	sdelay $0x4  }
0x20: {  	[hbm4b:s4+s2] =	stream.indirect_vreg.scatter [tilespmem:s12], [sflag:$0x3], $0x80, v4, vm0, $0xb8;
	[tilespmem:$0x10400] =	vst v63  }
0x21: {  	s0 =	simm.s32 $0xC00;
	v3 =	vperm.xlane v3, v2  }
0x22: {  	[hbm4b:s5+s2] =	stream.indirect_vreg.scatter [tilespmem:s0], [sflag:$0x3], $0x80, v4, vm0, $0xb8;
	[tilespmem:$0x10400] =	vst v63  }
0x23: {  	s19 =	simm.s32 $0x1400;
	v3 =	vadd.s32 v1, v3  }
0x24: {  	[hbm4b:s6+s2] =	stream.indirect_vreg.scatter [tilespmem:s19], [sflag:$0x3], $0x80, v4, vm0, $0xb8;
	[tilespmem:$0x10400] =	vst v63  }
0x25: {  	s20 =	simm.s32 $0x1C00  }
0x26: {  	[hbm4b:s7+s2] =	stream.indirect_vreg.scatter [tilespmem:s20], [sflag:$0x3], $0x80, v4, vm0, $0xb8;
	[tilespmem:$0x10400] =	vst v63  }
0x27: {  	s21 =	simm.s32 $0x2400  }
0x28: {  	[hbm4b:s4+s2] =	stream.indirect_vreg.scatter [tilespmem:s21], [sflag:$0x3], $0x80, v3, vm0, $0xb8;
	[tilespmem:$0x10400] =	vst v63  }
0x29: {  	s22 =	simm.s32 $0x2C00  }
0x2a: {  	[hbm4b:s5+s2] =	stream.indirect_vreg.scatter [tilespmem:s22], [sflag:$0x3], $0x80, v3, vm0, $0xb8;
	[tilespmem:$0x10400] =	vst v63  }
0x2b: {  	s24 =	simm.s32 $0x3400  }
0x2c: {  	[hbm4b:s6+s2] =	stream.indirect_vreg.scatter [tilespmem:s24], [sflag:$0x3], $0x80, v3, vm0, $0xb8;
	[tilespmem:$0x10400] =	vst v63  }
0x2d: {  	s25 =	simm.s32 $0x3C00  }
0x2e: {  	[hbm4b:s7+s2] =	stream.indirect_vreg.scatter [tilespmem:s25], [sflag:$0x3], $0x80, v3, vm0, $0xb8;
	[tilespmem:$0x10400] =	vst v63  }
0x2f: {  	v3 =	vld [tilespmem:$0x10];
	_ =	sdelay $0x4  }
0x30: {  	v49 =	vshll.u32 v3, $0x3  }
0x31: {  	v3 =	vand.u32 $0x7, v3;
	v4 =	vand.u32 $0xFFFFFFC0, v49  }
0x32: {  	v3 =	vor.u32 v3, v4  }
0x33: {  	v4 =	vperm.xlane v3, v0;
	_ =	sdelay $0x1  }
0x34: {  	v4 =	vadd.s32 v1, v4;
	_ =	sdelay $0x3  }
0x35: {  	s26 =	simm.s32 $0x4400  }
0x36: {  	[hbm4b:s4+s2] =	stream.indirect_vreg.scatter [tilespmem:s26], [sflag:$0x3], $0x80, v4, vm0, $0xb8;
	[tilespmem:$0x10400] =	vst v63  }
0x37: {  	s28 =	simm.s32 $0x4C00;
	v3 =	vperm.xlane v3, v2  }
0x38: {  	[hbm4b:s5+s2] =	stream.indirect_vreg.scatter [tilespmem:s28], [sflag:$0x3], $0x80, v4, vm0, $0xb8;
	[tilespmem:$0x10400] =	vst v63  }
0x39: {  	s31 =	simm.s32 $0x5400;
	v3 =	vadd.s32 v1, v3  }
0x3a: {  	[hbm4b:s6+s2] =	stream.indirect_vreg.scatter [tilespmem:s31], [sflag:$0x3], $0x80, v4, vm0, $0xb8;
	[tilespmem:$0x10400] =	vst v63  }
0x3b: {  	s16 =	simm.s32 $0x5C00  }
0x3c: {  	[hbm4b:s7+s2] =	stream.indirect_vreg.scatter [tilespmem:s16], [sflag:$0x3], $0x80, v4, vm0, $0xb8;
	[tilespmem:$0x10400] =	vst v63  }
0x3d: {  	s17 =	simm.s32 $0x6400  }
0x3e: {  	[hbm4b:s4+s2] =	stream.indirect_vreg.scatter [tilespmem:s17], [sflag:$0x3], $0x80, v3, vm0, $0xb8;
	[tilespmem:$0x10400] =	vst v63  }
0x3f: {  	s18 =	simm.s32 $0x6C00  }
0x40: {  	[hbm4b:s5+s2] =	stream.indirect_vreg.scatter [tilespmem:s18], [sflag:$0x3], $0x80, v3, vm0, $0xb8;
	[tilespmem:$0x10400] =	vst v63  }
0x41: {  	s19 =	simm.s32 $0x7400  }
0x42: {  	[hbm4b:s6+s2] =	stream.indirect_vreg.scatter [tilespmem:s19], [sflag:$0x3], $0x80, v3, vm0, $0xb8;
	[tilespmem:$0x10400] =	vst v63  }
0x43: {  	s20 =	simm.s32 $0x7C00  }
0x44: {  	[hbm4b:s7+s2] =	stream.indirect_vreg.scatter [tilespmem:s20], [sflag:$0x3], $0x80, v3, vm0, $0xb8;
	[tilespmem:$0x10400] =	vst v63  }
0x45: {  	_ =	swait.ge [sflag:s29], $0x8000  }
0x46: {  	[sflag:s29] =	ssyncset.done $0x0  }
0x47: {  	[sflag:s29] =	ssyncadd.s32 $0xFFFF8000  }
0x48: {  	_ =	swait.ge [sflag:s30], $0x8000  }
0x49: {  	[sflag:s30] =	ssyncset.done $0x0  }
0x4a: {  	s21 =	rddreg [dreg:$0x5];
	[sflag:s30] =	ssyncadd.s32 $0xFFFF8000  }
0x4b: {  	[tilespmem:s12], [sflag:$0x1] =	stream.linear.gather [hbm4b:s21+s2], $0x8000, $0x38;
	[tilespmem:$0x10400] =	vst v63  }
0x4c: {  	v3 =	vld [tilespmem:$0x80];
	_ =	sdelay $0x4  }
0x4d: {  	v50 =	vshll.u32 v3, $0x3  }
0x4e: {  	v3 =	vand.u32 $0x7, v3;
	v4 =	vand.u32 $0xFFFFFFC0, v50  }
0x4f: {  	v3 =	vor.u32 v3, v4  }
0x50: {  	v4 =	vperm.xlane v3, v0;
	_ =	sdelay $0x1  }
0x51: {  	v4 =	vadd.s32 v1, v4;
	_ =	sdelay $0x4  }
0x52: {  	[hbm4b:s4+s2] =	stream.indirect_vreg.scatter [tilespmem:s10], [sflag:$0x4], $0x80, v4, vm0, $0xb8;
	[tilespmem:$0x10400] =	vst v63  }
0x53: {  	s22 =	simm.s32 $0x8C00;
	v3 =	vperm.xlane v3, v2  }
0x54: {  	[hbm4b:s5+s2] =	stream.indirect_vreg.scatter [tilespmem:s22], [sflag:$0x4], $0x80, v4, vm0, $0xb8;
	[tilespmem:$0x10400] =	vst v63  }
0x55: {  	s24 =	simm.s32 $0x9400;
	v3 =	vadd.s32 v1, v3  }
0x56: {  	[hbm4b:s6+s2] =	stream.indirect_vreg.scatter [tilespmem:s24], [sflag:$0x4], $0x80, v4, vm0, $0xb8;
	[tilespmem:$0x10400] =	vst v63  }
0x57: {  	s25 =	simm.s32 $0x9C00  }
0x58: {  	[hbm4b:s7+s2] =	stream.indirect_vreg.scatter [tilespmem:s25], [sflag:$0x4], $0x80, v4, vm0, $0xb8;
	[tilespmem:$0x10400] =	vst v63  }
0x59: {  	s26 =	simm.s32 $0xA400  }
0x5a: {  	[hbm4b:s4+s2] =	stream.indirect_vreg.scatter [tilespmem:s26], [sflag:$0x4], $0x80, v3, vm0, $0xb8;
	[tilespmem:$0x10400] =	vst v63  }
0x5b: {  	s28 =	simm.s32 $0xAC00  }
0x5c: {  	[hbm4b:s5+s2] =	stream.indirect_vreg.scatter [tilespmem:s28], [sflag:$0x4], $0x80, v3, vm0, $0xb8;
	[tilespmem:$0x10400] =	vst v63  }
0x5d: {  	s31 =	simm.s32 $0xB400  }
0x5e: {  	[hbm4b:s6+s2] =	stream.indirect_vreg.scatter [tilespmem:s31], [sflag:$0x4], $0x80, v3, vm0, $0xb8;
	[tilespmem:$0x10400] =	vst v63  }
0x5f: {  	s18 =	simm.s32 $0xBC00  }
0x60: {  	[hbm4b:s7+s2] =	stream.indirect_vreg.scatter [tilespmem:s18], [sflag:$0x4], $0x80, v3, vm0, $0xb8;
	[tilespmem:$0x10400] =	vst v63  }
0x61: {  	v3 =	vld [tilespmem:$0x90];
	_ =	sdelay $0x4  }
0x62: {  	v51 =	vshll.u32 v3, $0x3  }
0x63: {  	v3 =	vand.u32 $0x7, v3;
	v4 =	vand.u32 $0xFFFFFFC0, v51  }
0x64: {  	v3 =	vor.u32 v3, v4  }
0x65: {  	v4 =	vperm.xlane v3, v0;
	_ =	sdelay $0x1  }
0x66: {  	v4 =	vadd.s32 v1, v4;
	_ =	sdelay $0x3  }
0x67: {  	s19 =	simm.s32 $0xC400  }
0x68: {  	[hbm4b:s4+s2] =	stream.indirect_vreg.scatter [tilespmem:s19], [sflag:$0x4], $0x80, v4, vm0, $0xb8;
	[tilespmem:$0x10400] =	vst v63  }
0x69: {  	s21 =	simm.s32 $0xCC00;
	v3 =	vperm.xlane v3, v2  }
0x6a: {  	[hbm4b:s5+s2] =	stream.indirect_vreg.scatter [tilespmem:s21], [sflag:$0x4], $0x80, v4, vm0, $0xb8;
	[tilespmem:$0x10400] =	vst v63  }
0x6b: {  	s22 =	simm.s32 $0xD400;
	v3 =	vadd.s32 v1, v3  }
0x6c: {  	[hbm4b:s6+s2] =	stream.indirect_vreg.scatter [tilespmem:s22], [sflag:$0x4], $0x80, v4, vm0, $0xb8;
	[tilespmem:$0x10400] =	vst v63  }
0x6d: {  	s24 =	simm.s32 $0xDC00  }
0x6e: {  	[hbm4b:s7+s2] =	stream.indirect_vreg.scatter [tilespmem:s24], [sflag:$0x4], $0x80, v4, vm0, $0xb8;
	[tilespmem:$0x10400] =	vst v63  }
0x6f: {  	s25 =	simm.s32 $0xE400  }
0x70: {  	[hbm4b:s4+s2] =	stream.indirect_vreg.scatter [tilespmem:s25], [sflag:$0x4], $0x80, v3, vm0, $0xb8;
	[tilespmem:$0x10400] =	vst v63  }
0x71: {  	s26 =	simm.s32 $0xEC00  }
0x72: {  	[hbm4b:s5+s2] =	stream.indirect_vreg.scatter [tilespmem:s26], [sflag:$0x4], $0x80, v3, vm0, $0xb8;
	[tilespmem:$0x10400] =	vst v63  }
0x73: {  	s28 =	simm.s32 $0xF400  }
0x74: {  	[hbm4b:s6+s2] =	stream.indirect_vreg.scatter [tilespmem:s28], [sflag:$0x4], $0x80, v3, vm0, $0xb8;
	[tilespmem:$0x10400] =	vst v63  }
0x75: {  	s31 =	simm.s32 $0xFC00  }
0x76: {  	[hbm4b:s7+s2] =	stream.indirect_vreg.scatter [tilespmem:s31], [sflag:$0x4], $0x80, v3, vm0, $0xb8;
	[tilespmem:$0x10400] =	vst v63  }
0x77: {  	_ =	swait.ge [sflag:s11], $0x8000  }
0x78: {  	[sflag:s11] =	ssyncset.done $0x0  }
0x79: {  	[sflag:s11] =	ssyncadd.s32 $0xFFFF8000  }
0x7a: {  	_ =	swait.ge [sflag:s23], $0x8000  }
0x7b: {  	[sflag:s23] =	ssyncset.done $0x0  }
0x7c: {  	s0 =	rddreg [dreg:$0x6];
	[sflag:s23] =	ssyncadd.s32 $0xFFFF8000  }
0x7d: {  	[tilespmem:s10], [sflag:$0x2] =	stream.linear.gather [hbm4b:s0+s2], $0x8000, $0x38;
	[tilespmem:$0x10400] =	vst v63  }
0x7e: {  	v3 =	vld [tilespmem:$0x100];
	_ =	sdelay $0x4  }
0x7f: {  	v52 =	vshll.u32 v3, $0x3  }
0x80: {  	v3 =	vand.u32 $0x7, v3;
	v4 =	vand.u32 $0xFFFFFFC0, v52  }
0x81: {  	v3 =	vor.u32 v3, v4  }
0x82: {  	v4 =	vperm.xlane v3, v0;
	_ =	sdelay $0x1  }
0x83: {  	v4 =	vadd.s32 v1, v4;
	_ =	sdelay $0x4  }
0x84: {  	[hbm4b:s4+s2] =	stream.indirect_vreg.scatter [tilespmem:s12], [sflag:$0x3], $0x80, v4, vm0, $0xb8;
	[tilespmem:$0x10400] =	vst v63  }
0x85: {  	s9 =	simm.s32 $0xC00;
	v3 =	vperm.xlane v3, v2  }
0x86: {  	[hbm4b:s5+s2] =	stream.indirect_vreg.scatter [tilespmem:s9], [sflag:$0x3], $0x80, v4, vm0, $0xb8;
	[tilespmem:$0x10400] =	vst v63  }
0x87: {  	s15 =	simm.s32 $0x1400;
	v3 =	vadd.s32 v1, v3  }
0x88: {  	[hbm4b:s6+s2] =	stream.indirect_vreg.scatter [tilespmem:s15], [sflag:$0x3], $0x80, v4, vm0, $0xb8;
	[tilespmem:$0x10400] =	vst v63  }
0x89: {  	s1 =	simm.s32 $0x1C00  }
0x8a: {  	[hbm4b:s7+s2] =	stream.indirect_vreg.scatter [tilespmem:s1], [sflag:$0x3], $0x80, v4, vm0, $0xb8;
	[tilespmem:$0x10400] =	vst v63  }
0x8b: {  	s3 =	simm.s32 $0x2400  }
0x8c: {  	[hbm4b:s4+s2] =	stream.indirect_vreg.scatter [tilespmem:s3], [sflag:$0x3], $0x80, v3, vm0, $0xb8;
	[tilespmem:$0x10400] =	vst v63  }
0x8d: {  	s0 =	simm.s32 $0x2C00  }
0x8e: {  	[hbm4b:s5+s2] =	stream.indirect_vreg.scatter [tilespmem:s0], [sflag:$0x3], $0x80, v3, vm0, $0xb8;
	[tilespmem:$0x10400] =	vst v63  }
0x8f: {  	s26 =	simm.s32 $0x3400  }
0x90: {  	[hbm4b:s6+s2] =	stream.indirect_vreg.scatter [tilespmem:s26], [sflag:$0x3], $0x80, v3, vm0, $0xb8;
	[tilespmem:$0x10400] =	vst v63  }
0x91: {  	s13 =	simm.s32 $0x3C00  }
0x92: {  	[hbm4b:s7+s2] =	stream.indirect_vreg.scatter [tilespmem:s13], [sflag:$0x3], $0x80, v3, vm0, $0xb8;
	[tilespmem:$0x10400] =	vst v63  }
0x93: {  	v3 =	vld [tilespmem:$0x110];
	_ =	sdelay $0x4  }
0x94: {  	v53 =	vshll.u32 v3, $0x3  }
0x95: {  	v3 =	vand.u32 $0x7, v3;
	v4 =	vand.u32 $0xFFFFFFC0, v53  }
0x96: {  	v3 =	vor.u32 v3, v4  }
0x97: {  	v4 =	vperm.xlane v3, v0;
	_ =	sdelay $0x1  }
0x98: {  	v4 =	vadd.s32 v1, v4;
	_ =	sdelay $0x3  }
0x99: {  	s14 =	simm.s32 $0x4400  }
0x9a: {  	[hbm4b:s4+s2] =	stream.indirect_vreg.scatter [tilespmem:s14], [sflag:$0x3], $0x80, v4, vm0, $0xb8;
	[tilespmem:$0x10400] =	vst v63  }
0x9b: {  	s15 =	simm.s32 $0x4C00;
	v3 =	vperm.xlane v3, v2  }
0x9c: {  	[hbm4b:s5+s2] =	stream.indirect_vreg.scatter [tilespmem:s15], [sflag:$0x3], $0x80, v4, vm0, $0xb8;
	[tilespmem:$0x10400] =	vst v63  }
0x9d: {  	s1 =	simm.s32 $0x5400;
	v3 =	vadd.s32 v1, v3  }
0x9e: {  	[hbm4b:s6+s2] =	stream.indirect_vreg.scatter [tilespmem:s1], [sflag:$0x3], $0x80, v4, vm0, $0xb8;
	[tilespmem:$0x10400] =	vst v63  }
0x9f: {  	s3 =	simm.s32 $0x5C00  }
0xa0: {  	[hbm4b:s7+s2] =	stream.indirect_vreg.scatter [tilespmem:s3], [sflag:$0x3], $0x80, v4, vm0, $0xb8;
	[tilespmem:$0x10400] =	vst v63  }
0xa1: {  	s9 =	simm.s32 $0x6400  }
0xa2: {  	[hbm4b:s4+s2] =	stream.indirect_vreg.scatter [tilespmem:s9], [sflag:$0x3], $0x80, v3, vm0, $0xb8;
	[tilespmem:$0x10400] =	vst v63  }
0xa3: {  	s13 =	simm.s32 $0x6C00  }
0xa4: {  	[hbm4b:s5+s2] =	stream.indirect_vreg.scatter [tilespmem:s13], [sflag:$0x3], $0x80, v3, vm0, $0xb8;
	[tilespmem:$0x10400] =	vst v63  }
0xa5: {  	s14 =	simm.s32 $0x7400  }
0xa6: {  	[hbm4b:s6+s2] =	stream.indirect_vreg.scatter [tilespmem:s14], [sflag:$0x3], $0x80, v3, vm0, $0xb8;
	[tilespmem:$0x10400] =	vst v63  }
0xa7: {  	s17 =	simm.s32 $0x7C00  }
0xa8: {  	[hbm4b:s7+s2] =	stream.indirect_vreg.scatter [tilespmem:s17], [sflag:$0x3], $0x80, v3, vm0, $0xb8;
	[tilespmem:$0x10400] =	vst v63  }
0xa9: {  	_ =	swait.ge [sflag:s29], $0x8000  }
0xaa: {  	[sflag:s29] =	ssyncset.done $0x0  }
0xab: {  	[sflag:s29] =	ssyncadd.s32 $0xFFFF8000  }
0xac: {  	_ =	swait.ge [sflag:s30], $0x8000  }
0xad: {  	[sflag:s30] =	ssyncset.done $0x0  }
0xae: {  	s17 =	rddreg [dreg:$0x7];
	[sflag:s30] =	ssyncadd.s32 $0xFFFF8000  }
0xaf: {  	[tilespmem:s12], [sflag:$0x1] =	stream.linear.gather [hbm4b:s17+s2], $0x8000, $0x38;
	[tilespmem:$0x10400] =	vst v63  }
0xb0: {  	v3 =	vld [tilespmem:$0x180];
	_ =	sdelay $0x4  }
0xb1: {  	v54 =	vshll.u32 v3, $0x3  }
0xb2: {  	v3 =	vand.u32 $0x7, v3;
	v4 =	vand.u32 $0xFFFFFFC0, v54  }
0xb3: {  	v3 =	vor.u32 v3, v4  }
0xb4: {  	v4 =	vperm.xlane v3, v0;
	_ =	sdelay $0x1  }
0xb5: {  	v4 =	vadd.s32 v1, v4;
	_ =	sdelay $0x4  }
0xb6: {  	[hbm4b:s4+s2] =	stream.indirect_vreg.scatter [tilespmem:s10], [sflag:$0x4], $0x80, v4, vm0, $0xb8;
	[tilespmem:$0x10400] =	vst v63  }
0xb7: {  	s22 =	simm.s32 $0x8C00;
	v3 =	vperm.xlane v3, v2  }
0xb8: {  	[hbm4b:s5+s2] =	stream.indirect_vreg.scatter [tilespmem:s22], [sflag:$0x4], $0x80, v4, vm0, $0xb8;
	[tilespmem:$0x10400] =	vst v63  }
0xb9: {  	s16 =	simm.s32 $0x9400;
	v3 =	vadd.s32 v1, v3  }
0xba: {  	[hbm4b:s6+s2] =	stream.indirect_vreg.scatter [tilespmem:s16], [sflag:$0x4], $0x80, v4, vm0, $0xb8;
	[tilespmem:$0x10400] =	vst v63  }
0xbb: {  	s20 =	simm.s32 $0x9C00  }
0xbc: {  	[hbm4b:s7+s2] =	stream.indirect_vreg.scatter [tilespmem:s20], [sflag:$0x4], $0x80, v4, vm0, $0xb8;
	[tilespmem:$0x10400] =	vst v63  }
0xbd: {  	s25 =	simm.s32 $0xA400  }
0xbe: {  	[hbm4b:s4+s2] =	stream.indirect_vreg.scatter [tilespmem:s25], [sflag:$0x4], $0x80, v3, vm0, $0xb8;
	[tilespmem:$0x10400] =	vst v63  }
0xbf: {  	s28 =	simm.s32 $0xAC00  }
0xc0: {  	[hbm4b:s5+s2] =	stream.indirect_vreg.scatter [tilespmem:s28], [sflag:$0x4], $0x80, v3, vm0, $0xb8;
	[tilespmem:$0x10400] =	vst v63  }
0xc1: {  	s31 =	simm.s32 $0xB400  }
0xc2: {  	[hbm4b:s6+s2] =	stream.indirect_vreg.scatter [tilespmem:s31], [sflag:$0x4], $0x80, v3, vm0, $0xb8;
	[tilespmem:$0x10400] =	vst v63  }
0xc3: {  	s18 =	simm.s32 $0xBC00  }
0xc4: {  	[hbm4b:s7+s2] =	stream.indirect_vreg.scatter [tilespmem:s18], [sflag:$0x4], $0x80, v3, vm0, $0xb8;
	[tilespmem:$0x10400] =	vst v63  }
0xc5: {  	v3 =	vld [tilespmem:$0x190];
	_ =	sdelay $0x4  }
0xc6: {  	v55 =	vshll.u32 v3, $0x3  }
0xc7: {  	v3 =	vand.u32 $0x7, v3;
	v4 =	vand.u32 $0xFFFFFFC0, v55  }
0xc8: {  	v3 =	vor.u32 v3, v4  }
0xc9: {  	v4 =	vperm.xlane v3, v0;
	_ =	sdelay $0x1  }
0xca: {  	v4 =	vadd.s32 v1, v4;
	_ =	sdelay $0x3  }
0xcb: {  	s19 =	simm.s32 $0xC400  }
0xcc: {  	[hbm4b:s4+s2] =	stream.indirect_vreg.scatter [tilespmem:s19], [sflag:$0x4], $0x80, v4, vm0, $0xb8;
	[tilespmem:$0x10400] =	vst v63  }
0xcd: {  	s20 =	simm.s32 $0xCC00;
	v3 =	vperm.xlane v3, v2  }
0xce: {  	[hbm4b:s5+s2] =	stream.indirect_vreg.scatter [tilespmem:s20], [sflag:$0x4], $0x80, v4, vm0, $0xb8;
	[tilespmem:$0x10400] =	vst v63  }
0xcf: {  	s17 =	simm.s32 $0xD400;
	v3 =	vadd.s32 v1, v3  }
0xd0: {  	[hbm4b:s6+s2] =	stream.indirect_vreg.scatter [tilespmem:s17], [sflag:$0x4], $0x80, v4, vm0, $0xb8;
	[tilespmem:$0x10400] =	vst v63  }
0xd1: {  	s16 =	simm.s32 $0xDC00  }
0xd2: {  	[hbm4b:s7+s2] =	stream.indirect_vreg.scatter [tilespmem:s16], [sflag:$0x4], $0x80, v4, vm0, $0xb8;
	[tilespmem:$0x10400] =	vst v63  }
0xd3: {  	s18 =	simm.s32 $0xE400  }
0xd4: {  	[hbm4b:s4+s2] =	stream.indirect_vreg.scatter [tilespmem:s18], [sflag:$0x4], $0x80, v3, vm0, $0xb8;
	[tilespmem:$0x10400] =	vst v63  }
0xd5: {  	s19 =	simm.s32 $0xEC00  }
0xd6: {  	[hbm4b:s5+s2] =	stream.indirect_vreg.scatter [tilespmem:s19], [sflag:$0x4], $0x80, v3, vm0, $0xb8;
	[tilespmem:$0x10400] =	vst v63  }
0xd7: {  	s24 =	simm.s32 $0xF400  }
0xd8: {  	[hbm4b:s6+s2] =	stream.indirect_vreg.scatter [tilespmem:s24], [sflag:$0x4], $0x80, v3, vm0, $0xb8;
	[tilespmem:$0x10400] =	vst v63  }
0xd9: {  	s21 =	simm.s32 $0xFC00  }
0xda: {  	[hbm4b:s7+s2] =	stream.indirect_vreg.scatter [tilespmem:s21], [sflag:$0x4], $0x80, v3, vm0, $0xb8;
	[tilespmem:$0x10400] =	vst v63  }
0xdb: {  	_ =	swait.ge [sflag:s11], $0x8000  }
0xdc: {  	[sflag:s11] =	ssyncset.done $0x0  }
0xdd: {  	[sflag:s11] =	ssyncadd.s32 $0xFFFF8000  }
0xde: {  	_ =	swait.ge [sflag:s23], $0x8000  }
0xdf: {  	[sflag:s23] =	ssyncset.done $0x0  }
0xe0: {  	s21 =	rddreg [dreg:$0x8];
	[sflag:s23] =	ssyncadd.s32 $0xFFFF8000  }
0xe1: {  	[tilespmem:s10], [sflag:$0x2] =	stream.linear.gather [hbm4b:s21+s2], $0x8000, $0x38;
	[tilespmem:$0x10400] =	vst v63  }
0xe2: {  	v3 =	vld [tilespmem:$0x200];
	_ =	sdelay $0x4  }
0xe3: {  	v56 =	vshll.u32 v3, $0x3  }
0xe4: {  	v3 =	vand.u32 $0x7, v3;
	v4 =	vand.u32 $0xFFFFFFC0, v56  }
0xe5: {  	v3 =	vor.u32 v3, v4  }
0xe6: {  	v4 =	vperm.xlane v3, v0;
	_ =	sdelay $0x1  }
0xe7: {  	v4 =	vadd.s32 v1, v4;
	_ =	sdelay $0x4  }
0xe8: {  	[hbm4b:s4+s2] =	stream.indirect_vreg.scatter [tilespmem:s12], [sflag:$0x3], $0x80, v4, vm0, $0xb8;
	[tilespmem:$0x10400] =	vst v63  }
0xe9: {  	s24 =	simm.s32 $0xC00;
	v3 =	vperm.xlane v3, v2  }
0xea: {  	[hbm4b:s5+s2] =	stream.indirect_vreg.scatter [tilespmem:s24], [sflag:$0x3], $0x80, v4, vm0, $0xb8;
	[tilespmem:$0x10400] =	vst v63  }
0xeb: {  	v3 =	vadd.s32 v1, v3;
	s24 =	simm.s32 $0x1400  }
0xec: {  	[hbm4b:s6+s2] =	stream.indirect_vreg.scatter [tilespmem:s24], [sflag:$0x3], $0x80, v4, vm0, $0xb8;
	[tilespmem:$0x10400] =	vst v63  }
0xed: {  	s24 =	simm.s32 $0x1C00  }
0xee: {  	[hbm4b:s7+s2] =	stream.indirect_vreg.scatter [tilespmem:s24], [sflag:$0x3], $0x80, v4, vm0, $0xb8;
	[tilespmem:$0x10400] =	vst v63  }
0xef: {  	s24 =	simm.s32 $0x2400  }
0xf0: {  	[hbm4b:s4+s2] =	stream.indirect_vreg.scatter [tilespmem:s24], [sflag:$0x3], $0x80, v3, vm0, $0xb8;
	[tilespmem:$0x10400] =	vst v63  }
0xf1: {  	_ = 	snop  }
0xf2: {  	[hbm4b:s5+s2] =	stream.indirect_vreg.scatter [tilespmem:s0], [sflag:$0x3], $0x80, v3, vm0, $0xb8;
	[tilespmem:$0x10400] =	vst v63  }
0xf3: {  	_ = 	snop  }
0xf4: {  	[hbm4b:s6+s2] =	stream.indirect_vreg.scatter [tilespmem:s26], [sflag:$0x3], $0x80, v3, vm0, $0xb8;
	[tilespmem:$0x10400] =	vst v63  }
0xf5: {  	s26 =	simm.s32 $0x3C00  }
0xf6: {  	[hbm4b:s7+s2] =	stream.indirect_vreg.scatter [tilespmem:s26], [sflag:$0x3], $0x80, v3, vm0, $0xb8;
	[tilespmem:$0x10400] =	vst v63  }
0xf7: {  	v3 =	vld [tilespmem:$0x210];
	_ =	sdelay $0x4  }
0xf8: {  	v57 =	vshll.u32 v3, $0x3  }
0xf9: {  	v3 =	vand.u32 $0x7, v3;
	v4 =	vand.u32 $0xFFFFFFC0, v57  }
0xfa: {  	v3 =	vor.u32 v3, v4  }
0xfb: {  	v4 =	vperm.xlane v3, v0;
	_ =	sdelay $0x1  }
0xfc: {  	v4 =	vadd.s32 v1, v4;
	_ =	sdelay $0x3  }
0xfd: {  	s0 =	simm.s32 $0x4400  }
0xfe: {  	[hbm4b:s4+s2] =	stream.indirect_vreg.scatter [tilespmem:s0], [sflag:$0x3], $0x80, v4, vm0, $0xb8;
	[tilespmem:$0x10400] =	vst v63  }
0xff: {  	v3 =	vperm.xlane v3, v2  }
0x100: {  	[hbm4b:s5+s2] =	stream.indirect_vreg.scatter [tilespmem:s15], [sflag:$0x3], $0x80, v4, vm0, $0xb8;
	[tilespmem:$0x10400] =	vst v63  }
0x101: {  	v3 =	vadd.s32 v1, v3  }
0x102: {  	[hbm4b:s6+s2] =	stream.indirect_vreg.scatter [tilespmem:s1], [sflag:$0x3], $0x80, v4, vm0, $0xb8;
	[tilespmem:$0x10400] =	vst v63  }
0x103: {  	_ = 	snop  }
0x104: {  	[hbm4b:s7+s2] =	stream.indirect_vreg.scatter [tilespmem:s3], [sflag:$0x3], $0x80, v4, vm0, $0xb8;
	[tilespmem:$0x10400] =	vst v63  }
0x105: {  	_ = 	snop  }
0x106: {  	[hbm4b:s4+s2] =	stream.indirect_vreg.scatter [tilespmem:s9], [sflag:$0x3], $0x80, v3, vm0, $0xb8;
	[tilespmem:$0x10400] =	vst v63  }
0x107: {  	_ = 	snop  }
0x108: {  	[hbm4b:s5+s2] =	stream.indirect_vreg.scatter [tilespmem:s13], [sflag:$0x3], $0x80, v3, vm0, $0xb8;
	[tilespmem:$0x10400] =	vst v63  }
0x109: {  	_ = 	snop  }
0x10a: {  	[hbm4b:s6+s2] =	stream.indirect_vreg.scatter [tilespmem:s14], [sflag:$0x3], $0x80, v3, vm0, $0xb8;
	[tilespmem:$0x10400] =	vst v63  }
0x10b: {  	s9 =	simm.s32 $0x7C00  }
0x10c: {  	[hbm4b:s7+s2] =	stream.indirect_vreg.scatter [tilespmem:s9], [sflag:$0x3], $0x80, v3, vm0, $0xb8;
	[tilespmem:$0x10400] =	vst v63  }
0x10d: {  	_ =	swait.ge [sflag:s29], $0x8000  }
0x10e: {  	[sflag:s29] =	ssyncset.done $0x0  }
0x10f: {  	[sflag:s29] =	ssyncadd.s32 $0xFFFF8000  }
0x110: {  	_ =	swait.ge [sflag:s30], $0x8000  }
0x111: {  	[sflag:s30] =	ssyncset.done $0x0  }
0x112: {  	s21 =	rddreg [dreg:$0x9];
	[sflag:s30] =	ssyncadd.s32 $0xFFFF8000  }
0x113: {  	[tilespmem:s12], [sflag:$0x1] =	stream.linear.gather [hbm4b:s21+s2], $0x8000, $0x38;
	[tilespmem:$0x10400] =	vst v63  }
0x114: {  	v3 =	vld [tilespmem:$0x280];
	_ =	sdelay $0x4  }
0x115: {  	v58 =	vshll.u32 v3, $0x3  }
0x116: {  	v3 =	vand.u32 $0x7, v3;
	v4 =	vand.u32 $0xFFFFFFC0, v58  }
0x117: {  	v3 =	vor.u32 v3, v4  }
0x118: {  	v4 =	vperm.xlane v3, v0;
	_ =	sdelay $0x1  }
0x119: {  	v4 =	vadd.s32 v1, v4;
	_ =	sdelay $0x4  }
0x11a: {  	[hbm4b:s4+s2] =	stream.indirect_vreg.scatter [tilespmem:s10], [sflag:$0x4], $0x80, v4, vm0, $0xb8;
	[tilespmem:$0x10400] =	vst v63  }
0x11b: {  	v3 =	vperm.xlane v3, v2  }
0x11c: {  	[hbm4b:s5+s2] =	stream.indirect_vreg.scatter [tilespmem:s22], [sflag:$0x4], $0x80, v4, vm0, $0xb8;
	[tilespmem:$0x10400] =	vst v63  }
0x11d: {  	s0 =	simm.s32 $0x9400;
	v3 =	vadd.s32 v1, v3  }
0x11e: {  	[hbm4b:s6+s2] =	stream.indirect_vreg.scatter [tilespmem:s0], [sflag:$0x4], $0x80, v4, vm0, $0xb8;
	[tilespmem:$0x10400] =	vst v63  }
0x11f: {  	s3 =	simm.s32 $0x9C00  }
0x120: {  	[hbm4b:s7+s2] =	stream.indirect_vreg.scatter [tilespmem:s3], [sflag:$0x4], $0x80, v4, vm0, $0xb8;
	[tilespmem:$0x10400] =	vst v63  }
0x121: {  	_ = 	snop  }
0x122: {  	[hbm4b:s4+s2] =	stream.indirect_vreg.scatter [tilespmem:s25], [sflag:$0x4], $0x80, v3, vm0, $0xb8;
	[tilespmem:$0x10400] =	vst v63  }
0x123: {  	_ = 	snop  }
0x124: {  	[hbm4b:s5+s2] =	stream.indirect_vreg.scatter [tilespmem:s28], [sflag:$0x4], $0x80, v3, vm0, $0xb8;
	[tilespmem:$0x10400] =	vst v63  }
0x125: {  	_ = 	snop  }
0x126: {  	[hbm4b:s6+s2] =	stream.indirect_vreg.scatter [tilespmem:s31], [sflag:$0x4], $0x80, v3, vm0, $0xb8;
	[tilespmem:$0x10400] =	vst v63  }
0x127: {  	s26 =	simm.s32 $0xBC00  }
0x128: {  	[hbm4b:s7+s2] =	stream.indirect_vreg.scatter [tilespmem:s26], [sflag:$0x4], $0x80, v3, vm0, $0xb8;
	[tilespmem:$0x10400] =	vst v63  }
0x129: {  	v3 =	vld [tilespmem:$0x290];
	_ =	sdelay $0x4  }
0x12a: {  	v59 =	vshll.u32 v3, $0x3  }
0x12b: {  	v3 =	vand.u32 $0x7, v3;
	v4 =	vand.u32 $0xFFFFFFC0, v59  }
0x12c: {  	v3 =	vor.u32 v3, v4  }
0x12d: {  	v4 =	vperm.xlane v3, v0;
	_ =	sdelay $0x1  }
0x12e: {  	v4 =	vadd.s32 v1, v4;
	_ =	sdelay $0x3  }
0x12f: {  	s1 =	simm.s32 $0xC400  }
0x130: {  	[hbm4b:s4+s2] =	stream.indirect_vreg.scatter [tilespmem:s1], [sflag:$0x4], $0x80, v4, vm0, $0xb8;
	[tilespmem:$0x10400] =	vst v63  }
0x131: {  	v3 =	vperm.xlane v3, v2  }
0x132: {  	[hbm4b:s5+s2] =	stream.indirect_vreg.scatter [tilespmem:s20], [sflag:$0x4], $0x80, v4, vm0, $0xb8;
	[tilespmem:$0x10400] =	vst v63  }
0x133: {  	v3 =	vadd.s32 v1, v3  }
0x134: {  	[hbm4b:s6+s2] =	stream.indirect_vreg.scatter [tilespmem:s17], [sflag:$0x4], $0x80, v4, vm0, $0xb8;
	[tilespmem:$0x10400] =	vst v63  }
0x135: {  	_ = 	snop  }
0x136: {  	[hbm4b:s7+s2] =	stream.indirect_vreg.scatter [tilespmem:s16], [sflag:$0x4], $0x80, v4, vm0, $0xb8;
	[tilespmem:$0x10400] =	vst v63  }
0x137: {  	_ = 	snop  }
0x138: {  	[hbm4b:s4+s2] =	stream.indirect_vreg.scatter [tilespmem:s18], [sflag:$0x4], $0x80, v3, vm0, $0xb8;
	[tilespmem:$0x10400] =	vst v63  }
0x139: {  	_ = 	snop  }
0x13a: {  	[hbm4b:s5+s2] =	stream.indirect_vreg.scatter [tilespmem:s19], [sflag:$0x4], $0x80, v3, vm0, $0xb8;
	[tilespmem:$0x10400] =	vst v63  }
0x13b: {  	s31 =	simm.s32 $0xF400  }
0x13c: {  	[hbm4b:s6+s2] =	stream.indirect_vreg.scatter [tilespmem:s31], [sflag:$0x4], $0x80, v3, vm0, $0xb8;
	[tilespmem:$0x10400] =	vst v63  }
0x13d: {  	s9 =	simm.s32 $0xFC00  }
0x13e: {  	[hbm4b:s7+s2] =	stream.indirect_vreg.scatter [tilespmem:s9], [sflag:$0x4], $0x80, v3, vm0, $0xb8;
	[tilespmem:$0x10400] =	vst v63  }
0x13f: {  	_ =	swait.ge [sflag:s11], $0x8000  }
0x140: {  	[sflag:s11] =	ssyncset.done $0x0  }
0x141: {  	[sflag:s11] =	ssyncadd.s32 $0xFFFF8000  }
0x142: {  	_ =	swait.ge [sflag:s23], $0x8000  }
0x143: {  	[sflag:s23] =	ssyncset.done $0x0  }
0x144: {  	s24 =	rddreg [dreg:$0xa];
	[sflag:s23] =	ssyncadd.s32 $0xFFFF8000  }
0x145: {  	[tilespmem:s10], [sflag:$0x2] =	stream.linear.gather [hbm4b:s24+s2], $0x8000, $0x38;
	[tilespmem:$0x10400] =	vst v63  }
0x146: {  	v3 =	vld [tilespmem:$0x300];
	_ =	sdelay $0x4  }
0x147: {  	v60 =	vshll.u32 v3, $0x3  }
0x148: {  	v3 =	vand.u32 $0x7, v3;
	v4 =	vand.u32 $0xFFFFFFC0, v60  }
0x149: {  	v3 =	vor.u32 v3, v4  }
0x14a: {  	v4 =	vperm.xlane v3, v0;
	_ =	sdelay $0x1  }
0x14b: {  	v4 =	vadd.s32 v1, v4;
	_ =	sdelay $0x4  }
0x14c: {  	[hbm4b:s4+s2] =	stream.indirect_vreg.scatter [tilespmem:s12], [sflag:$0x3], $0x80, v4, vm0, $0xb8;
	[tilespmem:$0x10400] =	vst v63  }
0x14d: {  	s24 =	simm.s32 $0xC00;
	v3 =	vperm.xlane v3, v2  }
0x14e: {  	[hbm4b:s5+s2] =	stream.indirect_vreg.scatter [tilespmem:s24], [sflag:$0x3], $0x80, v4, vm0, $0xb8;
	[tilespmem:$0x10400] =	vst v63  }
0x14f: {  	v3 =	vadd.s32 v1, v3;
	s24 =	simm.s32 $0x1400  }
0x150: {  	[hbm4b:s6+s2] =	stream.indirect_vreg.scatter [tilespmem:s24], [sflag:$0x3], $0x80, v4, vm0, $0xb8;
	[tilespmem:$0x10400] =	vst v63  }
0x151: {  	s24 =	simm.s32 $0x1C00  }
0x152: {  	[hbm4b:s7+s2] =	stream.indirect_vreg.scatter [tilespmem:s24], [sflag:$0x3], $0x80, v4, vm0, $0xb8;
	[tilespmem:$0x10400] =	vst v63  }
0x153: {  	s24 =	simm.s32 $0x2400  }
0x154: {  	[hbm4b:s4+s2] =	stream.indirect_vreg.scatter [tilespmem:s24], [sflag:$0x3], $0x80, v3, vm0, $0xb8;
	[tilespmem:$0x10400] =	vst v63  }
0x155: {  	s24 =	simm.s32 $0x2C00  }
0x156: {  	[hbm4b:s5+s2] =	stream.indirect_vreg.scatter [tilespmem:s24], [sflag:$0x3], $0x80, v3, vm0, $0xb8;
	[tilespmem:$0x10400] =	vst v63  }
0x157: {  	s24 =	simm.s32 $0x3400  }
0x158: {  	[hbm4b:s6+s2] =	stream.indirect_vreg.scatter [tilespmem:s24], [sflag:$0x3], $0x80, v3, vm0, $0xb8;
	[tilespmem:$0x10400] =	vst v63  }
0x159: {  	s24 =	simm.s32 $0x3C00  }
0x15a: {  	[hbm4b:s7+s2] =	stream.indirect_vreg.scatter [tilespmem:s24], [sflag:$0x3], $0x80, v3, vm0, $0xb8;
	[tilespmem:$0x10400] =	vst v63  }
0x15b: {  	v3 =	vld [tilespmem:$0x310];
	_ =	sdelay $0x4  }
0x15c: {  	v61 =	vshll.u32 v3, $0x3  }
0x15d: {  	v3 =	vand.u32 $0x7, v3;
	v4 =	vand.u32 $0xFFFFFFC0, v61  }
0x15e: {  	v3 =	vor.u32 v3, v4  }
0x15f: {  	v4 =	vperm.xlane v3, v0;
	_ =	sdelay $0x1  }
0x160: {  	v4 =	vadd.s32 v1, v4;
	_ =	sdelay $0x3  }
0x161: {  	s24 =	simm.s32 $0x4400  }
0x162: {  	[hbm4b:s4+s2] =	stream.indirect_vreg.scatter [tilespmem:s24], [sflag:$0x3], $0x80, v4, vm0, $0xb8;
	[tilespmem:$0x10400] =	vst v63  }
0x163: {  	s15 =	simm.s32 $0x4C00;
	v3 =	vperm.xlane v3, v2  }
0x164: {  	[hbm4b:s5+s2] =	stream.indirect_vreg.scatter [tilespmem:s15], [sflag:$0x3], $0x80, v4, vm0, $0xb8;
	[tilespmem:$0x10400] =	vst v63  }
0x165: {  	v3 =	vadd.s32 v1, v3;
	s15 =	simm.s32 $0x5400  }
0x166: {  	[hbm4b:s6+s2] =	stream.indirect_vreg.scatter [tilespmem:s15], [sflag:$0x3], $0x80, v4, vm0, $0xb8;
	[tilespmem:$0x10400] =	vst v63  }
0x167: {  	s24 =	simm.s32 $0x5C00  }
0x168: {  	[hbm4b:s7+s2] =	stream.indirect_vreg.scatter [tilespmem:s24], [sflag:$0x3], $0x80, v4, vm0, $0xb8;
	[tilespmem:$0x10400] =	vst v63  }
0x169: {  	s15 =	simm.s32 $0x6400  }
0x16a: {  	[hbm4b:s4+s2] =	stream.indirect_vreg.scatter [tilespmem:s15], [sflag:$0x3], $0x80, v3, vm0, $0xb8;
	[tilespmem:$0x10400] =	vst v63  }
0x16b: {  	s13 =	simm.s32 $0x6C00  }
0x16c: {  	[hbm4b:s5+s2] =	stream.indirect_vreg.scatter [tilespmem:s13], [sflag:$0x3], $0x80, v3, vm0, $0xb8;
	[tilespmem:$0x10400] =	vst v63  }
0x16d: {  	s14 =	simm.s32 $0x7400  }
0x16e: {  	[hbm4b:s6+s2] =	stream.indirect_vreg.scatter [tilespmem:s14], [sflag:$0x3], $0x80, v3, vm0, $0xb8;
	[tilespmem:$0x10400] =	vst v63  }
0x16f: {  	s24 =	simm.s32 $0x7C00  }
0x170: {  	[hbm4b:s7+s2] =	stream.indirect_vreg.scatter [tilespmem:s24], [sflag:$0x3], $0x80, v3, vm0, $0xb8;
	[tilespmem:$0x10400] =	vst v63  }
0x171: {  	_ =	swait.ge [sflag:s29], $0x8000  }
0x172: {  	[sflag:s29] =	ssyncset.done $0x0  }
0x173: {  	[sflag:s29] =	ssyncadd.s32 $0xFFFF8000  }
0x174: {  	v3 =	vld [tilespmem:$0x380];
	_ =	sdelay $0x4  }
0x175: {  	v62 =	vshll.u32 v3, $0x3  }
0x176: {  	v3 =	vand.u32 $0x7, v3;
	v4 =	vand.u32 $0xFFFFFFC0, v62  }
0x177: {  	v3 =	vor.u32 v3, v4  }
0x178: {  	v4 =	vperm.xlane v3, v0;
	_ =	sdelay $0x1  }
0x179: {  	v4 =	vadd.s32 v1, v4;
	_ =	sdelay $0x4  }
0x17a: {  	[hbm4b:s4+s2] =	stream.indirect_vreg.scatter [tilespmem:s10], [sflag:$0x4], $0x80, v4, vm0, $0xb8;
	[tilespmem:$0x10400] =	vst v63  }
0x17b: {  	s21 =	simm.s32 $0x8C00;
	v3 =	vperm.xlane v3, v2  }
0x17c: {  	[hbm4b:s5+s2] =	stream.indirect_vreg.scatter [tilespmem:s21], [sflag:$0x4], $0x80, v4, vm0, $0xb8;
	[tilespmem:$0x10400] =	vst v63  }
0x17d: {  	v3 =	vadd.s32 v1, v3  }
0x17e: {  	[hbm4b:s6+s2] =	stream.indirect_vreg.scatter [tilespmem:s0], [sflag:$0x4], $0x80, v4, vm0, $0xb8;
	[tilespmem:$0x10400] =	vst v63  }
0x17f: {  	_ = 	snop  }
0x180: {  	[hbm4b:s7+s2] =	stream.indirect_vreg.scatter [tilespmem:s3], [sflag:$0x4], $0x80, v4, vm0, $0xb8;
	[tilespmem:$0x10400] =	vst v63  }
0x181: {  	s22 =	simm.s32 $0xA400  }
0x182: {  	[hbm4b:s4+s2] =	stream.indirect_vreg.scatter [tilespmem:s22], [sflag:$0x4], $0x80, v3, vm0, $0xb8;
	[tilespmem:$0x10400] =	vst v63  }
0x183: {  	s25 =	simm.s32 $0xAC00  }
0x184: {  	[hbm4b:s5+s2] =	stream.indirect_vreg.scatter [tilespmem:s25], [sflag:$0x4], $0x80, v3, vm0, $0xb8;
	[tilespmem:$0x10400] =	vst v63  }
0x185: {  	s28 =	simm.s32 $0xB400  }
0x186: {  	[hbm4b:s6+s2] =	stream.indirect_vreg.scatter [tilespmem:s28], [sflag:$0x4], $0x80, v3, vm0, $0xb8;
	[tilespmem:$0x10400] =	vst v63  }
0x187: {  	_ = 	snop  }
0x188: {  	[hbm4b:s7+s2] =	stream.indirect_vreg.scatter [tilespmem:s26], [sflag:$0x4], $0x80, v3, vm0, $0xb8;
	[tilespmem:$0x10400] =	vst v63  }
0x189: {  	v3 =	vld [tilespmem:$0x390];
	_ =	sdelay $0x4  }
0x18a: {  	v63 =	vshll.u32 v3, $0x3  }
0x18b: {  	v3 =	vand.u32 $0x7, v3;
	v4 =	vand.u32 $0xFFFFFFC0, v63  }
0x18c: {  	v3 =	vor.u32 v3, v4  }
0x18d: {  	v4 =	vperm.xlane v3, v0;
	_ =	sdelay $0x1  }
0x18e: {  	v4 =	vadd.s32 v1, v4;
	_ =	sdelay $0x4  }
0x18f: {  	[hbm4b:s4+s2] =	stream.indirect_vreg.scatter [tilespmem:s1], [sflag:$0x4], $0x80, v4, vm0, $0xb8;
	[tilespmem:$0x10400] =	vst v63  }
0x190: {  	s20 =	simm.s32 $0xCC00;
	v3 =	vperm.xlane v3, v2  }
0x191: {  	[hbm4b:s5+s2] =	stream.indirect_vreg.scatter [tilespmem:s20], [sflag:$0x4], $0x80, v4, vm0, $0xb8;
	[tilespmem:$0x10400] =	vst v63  }
0x192: {  	s17 =	simm.s32 $0xD400;
	v3 =	vadd.s32 v1, v3  }
0x193: {  	[hbm4b:s6+s2] =	stream.indirect_vreg.scatter [tilespmem:s17], [sflag:$0x4], $0x80, v4, vm0, $0xb8;
	[tilespmem:$0x10400] =	vst v63  }
0x194: {  	s16 =	simm.s32 $0xDC00  }
0x195: {  	[hbm4b:s7+s2] =	stream.indirect_vreg.scatter [tilespmem:s16], [sflag:$0x4], $0x80, v4, vm0, $0xb8;
	[tilespmem:$0x10400] =	vst v63  }
0x196: {  	s18 =	simm.s32 $0xE400  }
0x197: {  	[hbm4b:s4+s2] =	stream.indirect_vreg.scatter [tilespmem:s18], [sflag:$0x4], $0x80, v3, vm0, $0xb8;
	[tilespmem:$0x10400] =	vst v63  }
0x198: {  	s19 =	simm.s32 $0xEC00  }
0x199: {  	[hbm4b:s5+s2] =	stream.indirect_vreg.scatter [tilespmem:s19], [sflag:$0x4], $0x80, v3, vm0, $0xb8;
	[tilespmem:$0x10400] =	vst v63  }
0x19a: {  	_ = 	snop  }
0x19b: {  	[hbm4b:s6+s2] =	stream.indirect_vreg.scatter [tilespmem:s31], [sflag:$0x4], $0x80, v3, vm0, $0xb8;
	[tilespmem:$0x10400] =	vst v63  }
0x19c: {  	_ = 	snop  }
0x19d: {  	[hbm4b:s7+s2] =	stream.indirect_vreg.scatter [tilespmem:s9], [sflag:$0x4], $0x80, v3, vm0, $0xb8;
	[tilespmem:$0x10400] =	vst v63  }
0x19e: {  	p0 =	sne.s32 s8, $0x1;
	_ =	swait.ge [sflag:s30], $0x8000  }
.Ltmp0:
0x19f: {  	[sflag:s30] =	ssyncset.done $0x0;
	(pc) =	sbr.rel @p0 .LBB2_1-.Ltmp0, $4  }
0x1a0: {  	[sflag:s30] =	ssyncadd.s32 $0xFFFF8000  }
0x1a1: {  	_ =	swait.ge [sflag:s23], $0x8000  }
0x1a2: {  	[sflag:s23] =	ssyncset.done $0x0  }
0x1a3: {  	s8 =	sadd.s32 $0xFFFFFFFF, s8;
	[sflag:s23] =	ssyncadd.s32 $0xFFFF8000  }
0x1a4: {  	_ =	sfence.sel $0x180000  }
0x1a5: {  	[bflag:$0x0] =	sbarrier.arrive $0xFFFF  }
0x1a6: {  	_ =	strace $0x90000047  }
0x1a7: {  	s0 =	stileid.u32;
	[bflag:$0x2] =	sbarrier.arrive $0xFFFF  }
0x1a8: {  	p0 =	sne.s32 s0, $0x0;
	s0 =	rddreg [dreg:$0x2]  }
0x1a9: {  	s0 =	sadd.s32 @!p0 $0x100000, s0  }
0x1aa: {  	[sflag:s0] =	ssyncadd.tile.s32 @!p0 $0x1;
	_ =	shalt  }
.Lfunc_end2:
_tile_overlayer_lowered:
.L_overlay_start_2:
0x1ab: {  	(tag) =	ssettag $0x2  }
0x1ac: {  	s0 =	rddreg [dreg:$0x0];
	s2 =	stileid.u32  }
0x1ad: {  	s1 =	rddreg [dreg:$0x1];
	p0 =	sne.s32 s2, $0x0  }
0x1ae: {  	s3 =	rddreg [dreg:$0x2];
	[bflag:$0x3] =	sbarrier.arrive $0xFFFF;
	s2 =	simm.s32 @!p0 $0x1C05  }
0x1af: {  	[timem:s3], [sflag:s2] =	dma.local @!p0 [hbm:s0], s1  }
0x1b0: {  	s0 =	simm.s32 @!p0 $0x5  }
0x1b1: {  	_ =	swait.ge @!p0 [sflag:s0], s1  }
0x1b2: {  	s1 =	ssub.s32 @!p0 $0x0, s1;
	[sflag:s0] =	ssyncset.done @!p0 $0x0  }
0x1b3: {  	[sflag:s0] =	ssyncadd.s32 @!p0 s1  }
0x1b4: {  	[bflag:$0x3] =	sbarrier.arrive $0xFFFF  }
0x1b5: {  	_ =	shalt  }

// kernel: kernel.8.cloned.1.call-start
scs
__scs_entry_jumppad:
0x0: {  	(pc) =	sbr.rel $0x88, $3  }
0x1: {  	(tag) =	ssettag $0x0;
	lr =	simm.s32 $0x1  }
0x2: {  	[smem:$0x3F99] =	sst lr;
	_ =	strace $0xD0000000  }
0x3: {  	_ = 	snop  }
0x4: {  	_ = 	snop  }
0x5: {  	_ = 	snop  }
0x6: {  	_ = 	snop  }
0x7: {  	_ = 	snop  }
__scs_overlays_trampoline_lowered:
0x8: {  	[smem:$0x3FA8] =	sst s0  }
0x9: {  	[smem:$0x3FA9] =	sst s1  }
0xa: {  	[smem:$0x3FAA] =	sst s2  }
0xb: {  	[smem:$0x3FAB] =	sst s3  }
0xc: {  	[smem:$0x3FAC] =	sst s4  }
0xd: {  	[smem:$0x3FAD] =	sst s5  }
0xe: {  	[smem:$0x3FAE] =	sst s6  }
0xf: {  	[smem:$0x3FAF] =	sst s7  }
0x10: {  	[smem:$0x3FB0] =	sst s8  }
0x11: {  	[smem:$0x3FB1] =	sst s9;
	s0 =	simm.s32 @!p0 $0x0  }
0x12: {  	s1 =	sld [smem:$0x3F97];
	s0 =	simm.s32 @p0 $0x1  }
0x13: {  	[smem:$0x3FB2] =	sst s0;
	s0 =	simm.s32 @!p1 $0x0  }
0x14: {  	s2 =	sld [smem:$0x3F96];
	s0 =	simm.s32 @p1 $0x1  }
0x15: {  	[smem:$0x3FB3] =	sst s0;
	s0 =	simm.s32 @!p2 $0x0  }
0x16: {  	s3 =	sld [smem:$0x3FDB];
	s0 =	simm.s32 @p2 $0x1  }
0x17: {  	s4 =	simm.s32 $0x1BF5;
	[smem:$0x3FB5] =	sst s0  }
0x18: {  	s0 =	sld [smem:$0x3F98];
	_ =	swait.ge [sflag:s4], $0x0  }
0x19: {  	s7 =	sld [smem:$0x3F99]  }
0x1a: {  	s8 =	sadd.s32 $0xFFFFE003, lr  }
0x1b: {  	s9 =	sadd.s32 $0xFFFFFEF7, lr;
	s5 =	simm.s32 $0xFFFFFFFF;
	p2 =	slt.u32 s8, $0xFFFFF086  }
0x1c: {  	p1 =	slt.u32 s9, $0xF7A;
	s5 =	simm.s32 @!p2 $0x0  }
0x1d: {  	s5 =	simm.s32 @p1 $0x1;
	p0 =	seq.s32 s7, s2  }
0x1e: {  	s7 =	smul.u32 @!p0 $0xF7A, s2;
	p2 =	seq.s32 @!p0 s5, $0x0  }
0x1f: {  	s9 =	smul.u32 $0xF7A, s1;
	s8 =	simm.s32 @!p0 $0x1BF5;
	p2 =	por !p2, p0  }
0x20: {  	[sflag:s8] =	ssyncset.s32 @!p0 $0xFFFFF086;
	s6 =	sadd.s32 @!p0 s3, s7;
	s7 =	simm.s32 @!p0 $0x108  }
0x21: {  	s3 =	sadd.s32 s3, s9;
	s6 =	sadd.s32 @!p0 $0x88, s6;
	s7 =	simm.s32 @p2 $0x1082  }
0x22: {  	[simem:s7], [sflag:s8] =	dma.local @!p0 [hbm:s6], $0xF7A  }
0x23: {  	s9 =	sor.u32 $0xD0000000, s2;
	s6 =	simm.s32 $0x108;
	_ =	swait.ge @!p0 [sflag:s8], $0x0  }
0x24: {  	s3 =	sadd.s32 $0x88, s3;
	s6 =	simm.s32 @!p1 $0x1082;
	[sflag:s4] =	ssyncset.s32 $0xFFFFF086  }
0x25: {  	[simem:s6], [sflag:s4] =	dma.local [hbm:s3], $0xF7A  }
0x26: {  	[smem:$0x3F99] =	sst s1;
	(tag) =	ssettag s2;
	_ =	strace s9  }
0x27: {  	s1 =	sld [smem:$0x3FA9]  }
0x28: {  	s2 =	sld [smem:$0x3FAA]  }
0x29: {  	s4 =	sld [smem:$0x3FAC]  }
0x2a: {  	p0 =	seq.s32 s5, $0x0;
	s5 =	sld [smem:$0x3FAD]  }
0x2b: {  	s6 =	sld [smem:$0x3FAE]  }
0x2c: {  	s7 =	sld [smem:$0x3FAF]  }
0x2d: {  	s3 =	simm.s32 $0x108;
	s8 =	sld [smem:$0x3FB0]  }
0x2e: {  	s3 =	simm.s32 @!p0 $0x1082;
	s9 =	sld [smem:$0x3FB1]  }
0x2f: {  	lr =	sadd.s32 s0, s3;
	s0 =	sld [smem:$0x3FA8]  }
0x30: {  	s3 =	sld [smem:$0x3FAB]  }
0x31: {  	[smem:$0x3FB4] =	sst s10  }
0x32: {  	s10 =	sld [smem:$0x3FB2];
	_ =	sdelay $0x3  }
0x33: {  	p0 =	seq.s32 s10, $0x1;
	s10 =	sld [smem:$0x3FB4];
	_ =	sdelay $0x3  }
0x34: {  	[smem:$0x3FB4] =	sst s10  }
0x35: {  	s10 =	sld [smem:$0x3FB3];
	_ =	sdelay $0x3  }
0x36: {  	p1 =	seq.s32 s10, $0x1;
	s10 =	sld [smem:$0x3FB4];
	_ =	sdelay $0x3  }
0x37: {  	[smem:$0x3FB4] =	sst s10  }
0x38: {  	s10 =	sld [smem:$0x3FB5]  }
0x39: {  	_ = 	snop;
	(pc) =	sbr.ind lr, $3  }
0x3a: {  	_ = 	snop  }
0x3b: {  	_ = 	snop  }
0x3c: {  	p2 =	seq.s32 s10, $0x1;
	s10 =	sld [smem:$0x3FB4]  }
0x3d: {  	_ =	shalt  }
0x3e: {  	_ =	shalt  }
0x3f: {  	_ =	shalt  }
0x40: {  	_ =	shalt  }
0x41: {  	_ =	shalt  }
0x42: {  	_ =	shalt  }
0x43: {  	_ =	shalt  }
0x44: {  	_ =	shalt  }
0x45: {  	_ =	shalt  }
0x46: {  	_ =	shalt  }
0x47: {  	_ =	shalt  }
0x48: {  	_ =	shalt  }
0x49: {  	_ =	shalt  }
0x4a: {  	_ =	shalt  }
0x4b: {  	_ =	shalt  }
0x4c: {  	_ =	shalt  }
0x4d: {  	_ =	shalt  }
0x4e: {  	_ =	shalt  }
0x4f: {  	_ =	shalt  }
0x50: {  	_ =	shalt  }
0x51: {  	_ =	shalt  }
0x52: {  	_ =	shalt  }
0x53: {  	_ =	shalt  }
0x54: {  	_ =	shalt  }
0x55: {  	_ =	shalt  }
0x56: {  	_ =	shalt  }
0x57: {  	_ =	shalt  }
0x58: {  	_ =	shalt  }
0x59: {  	_ =	shalt  }
0x5a: {  	_ =	shalt  }
0x5b: {  	_ =	shalt  }
0x5c: {  	_ =	shalt  }
0x5d: {  	_ =	shalt  }
0x5e: {  	_ =	shalt  }
0x5f: {  	_ =	shalt  }
0x60: {  	_ =	shalt  }
0x61: {  	_ =	shalt  }
0x62: {  	_ =	shalt  }
0x63: {  	_ =	shalt  }
0x64: {  	_ =	shalt  }
0x65: {  	_ =	shalt  }
0x66: {  	_ =	shalt  }
0x67: {  	_ =	shalt  }
0x68: {  	_ =	shalt  }
0x69: {  	_ =	shalt  }
0x6a: {  	_ =	shalt  }
0x6b: {  	_ =	shalt  }
0x6c: {  	_ =	shalt  }
0x6d: {  	_ =	shalt  }
0x6e: {  	_ =	shalt  }
0x6f: {  	_ =	shalt  }
0x70: {  	_ =	shalt  }
0x71: {  	_ =	shalt  }
0x72: {  	_ =	shalt  }
0x73: {  	_ =	shalt  }
0x74: {  	_ =	shalt  }
0x75: {  	_ =	shalt  }
0x76: {  	_ =	shalt  }
0x77: {  	_ =	shalt  }
0x78: {  	_ =	shalt  }
0x79: {  	_ =	shalt  }
0x7a: {  	_ =	shalt  }
0x7b: {  	_ =	shalt  }
0x7c: {  	_ =	shalt  }
0x7d: {  	_ =	shalt  }
0x7e: {  	_ =	shalt  }
0x7f: {  	_ =	shalt  }
0x80: {  	_ =	shalt  }
0x81: {  	_ =	shalt  }
0x82: {  	_ =	shalt  }
0x83: {  	_ =	shalt  }
0x84: {  	_ =	shalt  }
0x85: {  	_ =	shalt  }
0x86: {  	_ =	shalt  }
0x87: {  	_ =	shalt  }
.Lfunc_end0:
.L_simem_size_0:
called_computation.1_lowered:
.L_overlay_start_0:
0x88: {  	s2 =	sld [smem:$0x3FD9]  }
0x89: {  	s3 =	sld [smem:$0x3FFE];
	_ =	sdelay $0x1  }
0x8a: {  	s1 =	srdreg.scid  }
0x8b: {  	s0 =	sand.u32 $0x1, s1  }
0x8c: {  	s17 =	sshll.u32 s0, $0xA;
	s2 =	sadd.s32 s3, s2  }
0x8d: {  	s2 =	sadd.s32 s2, s17  }
0x8e: {  	[smem:$0x3FC0] =	sst s2  }
0x8f: {  	_ = 	snop  }
0x90: {  	s2 =	sld [smem:$0x3FD0];
	(tm) =	ssettm $0x1  }
0x91: {  	s18 =	sld [smem:$0x3FFB];
	_ =	sdelay $0x3  }
0x92: {  	_ =	strace s18  }
0x93: {  	s3 =	sld [smem:$0x3FFC];
	_ =	sdelay $0x3  }
0x94: {  	_ =	strace s3  }
0x95: {  	s3 =	sld [smem:$0x3FFD];
	_ =	sdelay $0x3  }
0x96: {  	_ =	strace s3  }
0x97: {  	_ =	strace $0x8FFFFFFF  }
0x98: {  	s19 =	sld [smem:$0x3FDB];
	_ =	sdelay $0x1  }
0x99: {  	s4 =	simm.s32 $_scs_section_size  }
0x9a: {  	s5 =	simm.s32 $_size__tile_overlayer_lowered;
	s6 =	simm.s32 $_tile_overlayer_lowered  }
0x9b: {  	s22 =	simm.s32 $0x1BFF;
	s21 =	sshll.u32 s6, $0x1;
	s3 =	sadd.s32 s4, s19  }
0x9c: {  	s7 =	simm.s32 $0x0;
	s20 =	sshll.u32 s5, $0x1;
	s5 =	sadd.s32 s21, s3  }
0x9d: {  	[timem:s7], [sflag:s22] =	dma.local [hbm:s5], s20  }
0x9e: {  	_ =	swait.ge [sflag:s22], s20  }
0x9f: {  	s4 =	ssub.s32 $0x0, s20;
	[sflag:s22] =	ssyncset.done $0x0  }
0xa0: {  	[sflag:s22] =	ssyncadd.s32 s4;
	_ =	sdelay $0x1  }
0xa1: {  	s23 =	simm.s32 $0x1B8B  }
0xa2: {  	_ =	swait.ge [sflag:s23], $0x1  }
0xa3: {  	[sflag:s23] =	ssyncset.done $0x0  }
0xa4: {  	s25 =	simm.s32 $0x1B8E;
	s24 =	sld [smem:$0x3FFE];
	[sflag:s23] =	ssyncadd.s32 $0xFFFFFFFF  }
0xa5: {  	s26 =	simm.s32 $execute0_lowered;
	[smem:$0x3FD2] =	sst s25  }
0xa6: {  	s5 =	sshll.u32 s26, $0x1;
	_ =	strace $0x80000049;
	[dreg:$0x1] =	wrdreg $0xFFFFFFFF  }
0xa7: {  	s28 =	simm.s32 $_size_execute0_lowered;
	s3 =	sadd.s32 s3, s5;
	[dreg:$0x0] =	wrdreg $0x0  }
0xa8: {  	s5 =	sshll.u32 s28, $0x1;
	[dreg:$0x2] =	wrdreg s3  }
0xa9: {  	[dreg:$0x3] =	wrdreg s5  }
0xaa: {  	[dreg:$0x4] =	wrdreg $0xC0  }
0xab: {  	_ =	task [dreg:s7], $0x5FFFF  }
0xac: {  	[dreg:$0x1] =	wrdreg $0xFFFFFFFF  }
0xad: {  	[dreg:$0x0] =	wrdreg $0x60  }
0xae: {  	[dreg:$0x2] =	wrdreg s24  }
0xaf: {  	[dreg:$0x3] =	wrdreg s2  }
0xb0: {  	[dreg:$0x4] =	wrdreg $0x9  }
0xb1: {  	_ =	task.clear_ibuf [dreg:s7], $0x5FFFF;
	_ =	strace $0x90000049  }
0xb2: {  	s29 =	simm.s32 $0x9;
	_ =	strace $0x8000004B  }
0xb3: {  	_ =	swait.ge [sflag:s29], $0x1  }
0xb4: {  	[sflag:s29] =	ssyncadd.s32 $0xFFFFFFFF  }
0xb5: {  	_ =	strace $0x9000004B  }
0xb6: {  	_ =	sfence  }
0xb7: {  	s30 =	sld [smem:$0x0];
	_ =	sdelay $0x2  }
0xb8: {  	s31 =	sshll.u32 s1, $0xD;
	s1 =	sshrl.u32 s1, $0x2  }
0xb9: {  	s3 =	sand.u32 $0x4000, s31;
	s1 =	sadd.s32 s1, s30  }
0xba: {  	s0 =	sor.u32 s3, s0;
	s1 =	sshll.u32 s1, $0x11  }
0xbb: {  	s0 =	sor.u32 s1, s0  }
0xbc: {  	s0 =	sadd.s32 $0x8F2B, s0  }
0xbd: {  	[sflag:s0] =	ssyncadd.remote.s32 $0x1  }
0xbe: {  	_ =	sfence.sel $0xFFFF  }
0xbf: {  	[dreg:$0x0] =	wrdreg $0xFFFFFFFF;
	(pc) =	sbr.abs _section_cstart, $3  }
0xc0: {  	[dreg:$0x1] =	wrdreg $0xFFFFFFFF  }
0xc1: {  	_ =	task.clear_ibuf [dreg:s7], $0x2FFFF;
	_ =	strace $0x9FFFFFFF  }
0xc2: {  	(tm) =	ssettm $0x7FFFFFFF  }
0xc3: {  	_ =	shalt  }
tec
execute0_lowered:
.L_overlay_start_1:
0x0: {  	(tag) =	ssettag $0x1  }
0x1: {  	s5 =	rddreg [dreg:$0x0]  }
0x2: {  	s7 =	rddreg [dreg:$0x1]  }
0x3: {  	s0 =	rddreg [dreg:$0x2];
	s2 =	simm.s32 $0x0;
	s4 =	srdreg.scid  }
0x4: {  	s1 =	stileid.u32;
	[smem:$0x7FF] =	sst s2;
	s3 =	sadd.s32 $0x400, s5  }
0x5: {  	s8 =	sand.u32 $0x1, s4;
	s4 =	simm.s32 $0x1;
	_ =	strace $0x8000004A  }
0x6: {  	[tilespmem:s2], [sflag:$0x1] =	stream.linear.gather [hbm4b:s3+s2], $0x2800, $0x38;
	[tilespmem:$0x2A00] =	vst v63  }
0x7: {  	s6 =	sshll.u32 s1, $0x6;
	s9 =	sshll.u32 s8, $0x5;
	_ =	swait.ge [sflag:s4], $0x2800  }
0x8: {  	s9 =	sor.u32 s9, s6;
	[sflag:s4] =	ssyncset.done $0x0  }
0x9: {  	s6 =	simm.s32 $0x2800;
	s5 =	sadd.s32 s5, s9;
	[sflag:s4] =	ssyncadd.s32 $0xFFFFD800  }
0xa: {  	[tilespmem:s6], [sflag:$0x1] =	stream.linear.gather [hbm4b:s5+s2], $0x100, $0x38;
	[tilespmem:$0x2A00] =	vst v63  }
0xb: {  	_ =	swait.ge [sflag:s4], $0x100  }
0xc: {  	[sflag:s4] =	ssyncset.done $0x0  }
0xd: {  	[sflag:s4] =	ssyncadd.s32 $0xFFFFFF00  }
0xe: {  	v0 =	vld [tilespmem:$0x2800];
	_ =	sdelay $0x5  }
0xf: {  	v1 =	vld [tilespmem:$0x2810];
	_ =	sdelay $0x1  }
0x10: {  	v0 =	vld.idx.msk [tilespmem:v0+s2+$0x0], $0xffff;
	_ =	sdelay $0x3  }
0x11: {  	v2 =	vld [tilespmem:$0x2820]  }
0x12: {  	[tilespmem:$0x2900] =	vst v0  }
0x13: {  	v0 =	vld.idx.msk [tilespmem:v1+s2+$0x0], $0xffff;
	_ =	sdelay $0x3  }
0x14: {  	v51 =	vld [tilespmem:$0x2830]  }
0x15: {  	[tilespmem:$0x2910] =	vst v0  }
0x16: {  	v0 =	vld.idx.msk [tilespmem:v2+s2+$0x0], $0xffff;
	_ =	sdelay $0x3  }
0x17: {  	v52 =	vld [tilespmem:$0x2840]  }
0x18: {  	[tilespmem:$0x2920] =	vst v0  }
0x19: {  	v0 =	vld.idx.msk [tilespmem:v51+s2+$0x0], $0xffff;
	_ =	sdelay $0x3  }
0x1a: {  	v53 =	vld [tilespmem:$0x2850]  }
0x1b: {  	[tilespmem:$0x2930] =	vst v0  }
0x1c: {  	v0 =	vld.idx.msk [tilespmem:v52+s2+$0x0], $0xffff;
	_ =	sdelay $0x3  }
0x1d: {  	v54 =	vld [tilespmem:$0x2860]  }
0x1e: {  	[tilespmem:$0x2940] =	vst v0  }
0x1f: {  	v0 =	vld.idx.msk [tilespmem:v53+s2+$0x0], $0xffff;
	_ =	sdelay $0x3  }
0x20: {  	v55 =	vld [tilespmem:$0x2870]  }
0x21: {  	[tilespmem:$0x2950] =	vst v0  }
0x22: {  	v0 =	vld.idx.msk [tilespmem:v54+s2+$0x0], $0xffff;
	_ =	sdelay $0x3  }
0x23: {  	v56 =	vld [tilespmem:$0x2880]  }
0x24: {  	[tilespmem:$0x2960] =	vst v0  }
0x25: {  	v0 =	vld.idx.msk [tilespmem:v55+s2+$0x0], $0xffff;
	_ =	sdelay $0x3  }
0x26: {  	v57 =	vld [tilespmem:$0x2890]  }
0x27: {  	[tilespmem:$0x2970] =	vst v0  }
0x28: {  	v0 =	vld.idx.msk [tilespmem:v56+s2+$0x0], $0xffff;
	_ =	sdelay $0x3  }
0x29: {  	v58 =	vld [tilespmem:$0x28A0]  }
0x2a: {  	[tilespmem:$0x2980] =	vst v0  }
0x2b: {  	v0 =	vld.idx.msk [tilespmem:v57+s2+$0x0], $0xffff;
	_ =	sdelay $0x3  }
0x2c: {  	v59 =	vld [tilespmem:$0x28B0]  }
0x2d: {  	[tilespmem:$0x2990] =	vst v0  }
0x2e: {  	v0 =	vld.idx.msk [tilespmem:v58+s2+$0x0], $0xffff;
	_ =	sdelay $0x3  }
0x2f: {  	v60 =	vld [tilespmem:$0x28C0]  }
0x30: {  	[tilespmem:$0x29A0] =	vst v0  }
0x31: {  	v0 =	vld.idx.msk [tilespmem:v59+s2+$0x0], $0xffff;
	_ =	sdelay $0x3  }
0x32: {  	v61 =	vld [tilespmem:$0x28D0]  }
0x33: {  	[tilespmem:$0x29B0] =	vst v0  }
0x34: {  	v0 =	vld.idx.msk [tilespmem:v60+s2+$0x0], $0xffff;
	_ =	sdelay $0x3  }
0x35: {  	v62 =	vld [tilespmem:$0x28E0]  }
0x36: {  	[tilespmem:$0x29C0] =	vst v0  }
0x37: {  	v0 =	vld.idx.msk [tilespmem:v61+s2+$0x0], $0xffff;
	_ =	sdelay $0x3  }
0x38: {  	v63 =	vld [tilespmem:$0x28F0]  }
0x39: {  	[tilespmem:$0x29D0] =	vst v0  }
0x3a: {  	v0 =	vld.idx.msk [tilespmem:v62+s2+$0x0], $0xffff;
	_ =	sdelay $0x4  }
0x3b: {  	s8 =	ssub.s32 $0x2, s8;
	[tilespmem:$0x29E0] =	vst v0  }
0x3c: {  	s10 =	sshrl.u32 s8, $0x1;
	v0 =	vld.idx.msk [tilespmem:v63+s2+$0x0], $0xffff  }
0x3d: {  	s8 =	ssub.s32 s8, s10  }
0x3e: {  	s31 =	smax.u32 s8, $0x1  }
0x3f: {  	p0 =	sne.s32 s31, $0x1  }
.Ltmp0:
0x40: {  	_ = 	snop;
	(pc) =	sbr.rel @!p0 .LBB2_2-.Ltmp0, $4  }
0x41: {  	s7 =	sadd.s32 s7, s9;
	s8 =	simm.s32 $0x2900;
	[tilespmem:$0x29F0] =	vst v0  }
0x42: {  	[hbm4b:s7+s2] =	stream.linear.scatter [tilespmem:s8], [sflag:$0x1], $0x100, $0x38;
	[tilespmem:$0x2A00] =	vst v63  }
0x43: {  	_ =	swait.ge [sflag:s4], $0x100  }
0x44: {  	s9 =	sadd.s32 $0xFFFFFFFF, s31;
	[sflag:s4] =	ssyncset.done $0x0  }
.LBB2_1:
0x45: {  	p0 =	sne.s32 s9, $0x1;
	s9 =	sadd.s32 $0xFFFFFFFF, s9;
	[sflag:s4] =	ssyncadd.s32 $0xFFFFFF00  }
0x46: {  	[tilespmem:s2], [sflag:$0x1] =	stream.linear.gather [hbm4b:s3+s2], $0x2800, $0x38;
	[tilespmem:$0x2A00] =	vst v63  }
0x47: {  	_ =	swait.ge [sflag:s4], $0x2800  }
0x48: {  	[sflag:s4] =	ssyncset.done $0x0  }
0x49: {  	[sflag:s4] =	ssyncadd.s32 $0xFFFFD800  }
0x4a: {  	[tilespmem:s6], [sflag:$0x1] =	stream.linear.gather [hbm4b:s5+s2], $0x100, $0x38;
	[tilespmem:$0x2A00] =	vst v63  }
0x4b: {  	_ =	swait.ge [sflag:s4], $0x100  }
0x4c: {  	[sflag:s4] =	ssyncset.done $0x0  }
0x4d: {  	[sflag:s4] =	ssyncadd.s32 $0xFFFFFF00  }
0x4e: {  	v0 =	vld [tilespmem:$0x2800];
	_ =	sdelay $0x6  }
0x4f: {  	v1 =	vld [tilespmem:$0x2810]  }
0x50: {  	v0 =	vld.idx.msk [tilespmem:v0+s2+$0x0], $0xffff;
	_ =	sdelay $0x5  }
0x51: {  	[tilespmem:$0x2900] =	vst v0;
	v0 =	vld [tilespmem:$0x2820]  }
0x52: {  	v1 =	vld.idx.msk [tilespmem:v1+s2+$0x0], $0xffff;
	_ =	sdelay $0x5  }
0x53: {  	[tilespmem:$0x2910] =	vst v1;
	v1 =	vld [tilespmem:$0x2830]  }
0x54: {  	v0 =	vld.idx.msk [tilespmem:v0+s2+$0x0], $0xffff;
	_ =	sdelay $0x5  }
0x55: {  	[tilespmem:$0x2920] =	vst v0;
	v0 =	vld [tilespmem:$0x2840]  }
0x56: {  	v1 =	vld.idx.msk [tilespmem:v1+s2+$0x0], $0xffff;
	_ =	sdelay $0x5  }
0x57: {  	[tilespmem:$0x2930] =	vst v1;
	v1 =	vld [tilespmem:$0x2850]  }
0x58: {  	v0 =	vld.idx.msk [tilespmem:v0+s2+$0x0], $0xffff;
	_ =	sdelay $0x5  }
0x59: {  	[tilespmem:$0x2940] =	vst v0;
	v0 =	vld [tilespmem:$0x2860]  }
0x5a: {  	v1 =	vld.idx.msk [tilespmem:v1+s2+$0x0], $0xffff;
	_ =	sdelay $0x5  }
0x5b: {  	[tilespmem:$0x2950] =	vst v1;
	v1 =	vld [tilespmem:$0x2870]  }
0x5c: {  	v0 =	vld.idx.msk [tilespmem:v0+s2+$0x0], $0xffff;
	_ =	sdelay $0x5  }
0x5d: {  	[tilespmem:$0x2960] =	vst v0;
	v0 =	vld [tilespmem:$0x2880]  }
0x5e: {  	v1 =	vld.idx.msk [tilespmem:v1+s2+$0x0], $0xffff;
	_ =	sdelay $0x5  }
0x5f: {  	[tilespmem:$0x2970] =	vst v1;
	v1 =	vld [tilespmem:$0x2890]  }
0x60: {  	v0 =	vld.idx.msk [tilespmem:v0+s2+$0x0], $0xffff;
	_ =	sdelay $0x5  }
0x61: {  	[tilespmem:$0x2980] =	vst v0;
	v0 =	vld [tilespmem:$0x28A0]  }
0x62: {  	v1 =	vld.idx.msk [tilespmem:v1+s2+$0x0], $0xffff;
	_ =	sdelay $0x5  }
0x63: {  	[tilespmem:$0x2990] =	vst v1;
	v1 =	vld [tilespmem:$0x28B0]  }
0x64: {  	v0 =	vld.idx.msk [tilespmem:v0+s2+$0x0], $0xffff;
	_ =	sdelay $0x5  }
0x65: {  	[tilespmem:$0x29A0] =	vst v0;
	v0 =	vld [tilespmem:$0x28C0]  }
0x66: {  	v1 =	vld.idx.msk [tilespmem:v1+s2+$0x0], $0xffff;
	_ =	sdelay $0x5  }
0x67: {  	[tilespmem:$0x29B0] =	vst v1;
	v1 =	vld [tilespmem:$0x28D0]  }
0x68: {  	v0 =	vld.idx.msk [tilespmem:v0+s2+$0x0], $0xffff;
	_ =	sdelay $0x5  }
0x69: {  	[tilespmem:$0x29C0] =	vst v0;
	v0 =	vld [tilespmem:$0x28E0]  }
0x6a: {  	v1 =	vld.idx.msk [tilespmem:v1+s2+$0x0], $0xffff;
	_ =	sdelay $0x5  }
0x6b: {  	[tilespmem:$0x29D0] =	vst v1;
	v1 =	vld [tilespmem:$0x28F0]  }
0x6c: {  	v0 =	vld.idx.msk [tilespmem:v0+s2+$0x0], $0xffff;
	_ =	sdelay $0x5  }
0x6d: {  	[tilespmem:$0x29E0] =	vst v0  }
0x6e: {  	v0 =	vld.idx.msk [tilespmem:v1+s2+$0x0], $0xffff;
	_ =	sdelay $0x4  }
.Ltmp1:
0x6f: {  	(pc) =	sbr.rel @p0 .LBB2_1-.Ltmp1, $4  }
0x70: {  	[tilespmem:$0x29F0] =	vst v0  }
0x71: {  	[hbm4b:s7+s2] =	stream.linear.scatter [tilespmem:s8], [sflag:$0x1], $0x100, $0x38;
	[tilespmem:$0x2A00] =	vst v63  }
0x72: {  	_ =	swait.ge [sflag:s4], $0x100  }
0x73: {  	[sflag:s4] =	ssyncset.done $0x0  }
.LBB2_2:
0x74: {  	[sflag:s4] =	ssyncadd.s32 $0xFFFFFF00  }
0x75: {  	_ =	sfence.sel $0x180000  }
0x76: {  	[bflag:$0x0] =	sbarrier.arrive $0xFFFF  }
0x77: {  	p0 =	sne.s32 s1, $0x0;
	_ =	strace $0x9000004A  }
0x78: {  	s0 =	sadd.s32 @!p0 $0x100000, s0;
	[bflag:$0x2] =	sbarrier.arrive $0xFFFF  }
0x79: {  	[sflag:s0] =	ssyncadd.tile.s32 @!p0 $0x1;
	_ =	shalt  }
.Lfunc_end2:
_tile_overlayer_lowered:
.L_overlay_start_2:
0x7a: {  	(tag) =	ssettag $0x2  }
0x7b: {  	s0 =	rddreg [dreg:$0x0];
	s2 =	stileid.u32  }
0x7c: {  	s1 =	rddreg [dreg:$0x1];
	p0 =	sne.s32 s2, $0x0  }
0x7d: {  	s3 =	rddreg [dreg:$0x2];
	[bflag:$0x3] =	sbarrier.arrive $0xFFFF;
	s2 =	simm.s32 @!p0 $0x1C01  }
0x7e: {  	[timem:s3], [sflag:s2] =	dma.local @!p0 [hbm:s0], s1  }
0x7f: {  	s0 =	simm.s32 @!p0 $0x1  }
0x80: {  	_ =	swait.ge @!p0 [sflag:s0], s1  }
0x81: {  	s1 =	ssub.s32 @!p0 $0x0, s1;
	[sflag:s0] =	ssyncset.done @!p0 $0x0  }
0x82: {  	[sflag:s0] =	ssyncadd.s32 @!p0 s1  }
0x83: {  	[bflag:$0x3] =	sbarrier.arrive $0xFFFF  }
0x84: {  	_ =	shalt  }

</sc_bundles>
